<compile_context>
chip_gen: v7x
topology: tpu7x:2x2x1
jax: 0.10.2.dev20260603
libtpu: 0.0.44.dev20260713+nightly
codegen_flags: <defaults>
</compile_context>

<pallas_src>
import functools

import jax
import jax.numpy as jnp
from jax import lax
from jax.experimental import pallas as pl
from jax.experimental.pallas import tpu as pltpu
from jax.experimental.pallas import tpu_sc as plsc

_N = 10000
_NP = 10240
_DIN = 128
_DH = 64
_NC = 2
_NS = 16
_B = 192
_ROWS_PER_SUB = _NP // _NS
_TAIL = _N - (_NS - 1) * _ROWS_PER_SUB


def _project(x, W, b):
    n, d = x.shape
    blk = 1000

    def body(x_ref, w_ref, b_ref, o_ref):
        o_ref[...] = jnp.dot(x_ref[...], w_ref[...],
                             preferred_element_type=jnp.float32) + b_ref[...]

    return pl.pallas_call(
        body,
        grid=(n // blk,),
        in_specs=[
            pl.BlockSpec((blk, d), lambda i: (i, 0)),
            pl.BlockSpec((d, d), lambda i: (0, 0)),
            pl.BlockSpec((1, d), lambda i: (0, 0)),
        ],
        out_specs=pl.BlockSpec((blk, d), lambda i: (i, 0)),
        out_shape=jax.ShapeDtypeStruct((n, d), jnp.float32),
    )(x, W, b.reshape(1, d))


def _propagate(hs, pk3, zeros):
    k = pk3.shape[-2]
    mesh = plsc.VectorSubcoreMesh(core_axis_name="c", subcore_axis_name="s",
                                  num_cores=_NC, num_subcores=_NS)
    out_ty = jax.ShapeDtypeStruct((_N, _DIN), jnp.float32)

    @functools.partial(
        pl.kernel,
        out_type=out_ty,
        mesh=mesh,
        compiler_params=pltpu.CompilerParams(use_tc_tiling_on_sc=False),
        scratch_types=[
            pltpu.VMEM((k, _B), jnp.int32),
            pltpu.VMEM((2, _B), jnp.int32),
            pltpu.VMEM((2, _B), jnp.int32),
            pltpu.VMEM((_B, _DH), jnp.float32),
            pltpu.VMEM((_B, _DH), jnp.float32),
            pltpu.SemaphoreType.DMA,
            pltpu.SemaphoreType.DMA,
            pltpu.SemaphoreType.DMA,
            pltpu.SemaphoreType.DMA,
            pltpu.VMEM_SHARED((_NP, _DH), jnp.float32),
            pltpu.VMEM_SHARED((_NP, _DH), jnp.float32),
        ],
    )
    def run(hs_ref, pk3_ref, z_ref, out_ref,
            pk_v, src_b, dst_b, rows0, rows1,
            semg0, semg1, sems0, sems1, t0, t1):
        cid = lax.axis_index("c")
        sid = lax.axis_index("s")
        r0 = sid * _ROWS_PER_SUB
        rsl = pl.ds(r0, _ROWS_PER_SUB)
        csl = pl.ds(cid * _DH, _DH)
        pltpu.sync_copy(pk3_ref.at[sid], pk_v)
        @pl.when(sid < _NS - 1)
        def _():
            pltpu.sync_copy(hs_ref.at[rsl, csl], t0.at[rsl])

        @pl.when(sid == _NS - 1)
        def _():
            pltpu.sync_copy(hs_ref.at[pl.ds(r0, _TAIL), csl],
                            t0.at[pl.ds(r0, _TAIL)])

        pltpu.sync_copy(z_ref, t1.at[rsl])
        plsc.subcore_barrier()

        def unpack(j, slot):
            @pl.loop(0, _B // 16)
            def _(c):
                v = pk_v[j, pl.ds(16 * c, 16)]
                src_b[slot, pl.ds(16 * c, 16)] = jnp.bitwise_and(v, 16383)
                dst_b[slot, pl.ds(16 * c, 16)] = lax.shift_right_logical(v, 14)

        def one_round(tab_in, tab_out):
            unpack(0, 0)
            pltpu.async_copy(tab_in.at[src_b.at[0]], rows0, semg0)

            @pl.loop(0, k // 2)
            def _(i):
                j = 2 * i
                pltpu.make_async_copy(tab_in.at[src_b.at[0]], rows0,
                                      semg0).wait()
                pltpu.async_copy(rows0, tab_out.at[dst_b.at[0]], sems0,
                                 add=True)

                @pl.when(i > 0)
                def _():
                    pltpu.make_async_copy(rows1, tab_out.at[dst_b.at[1]],
                                          sems1).wait()

                unpack(j + 1, 1)
                pltpu.async_copy(tab_in.at[src_b.at[1]], rows1, semg1)
                pltpu.make_async_copy(tab_in.at[src_b.at[1]], rows1,
                                      semg1).wait()
                pltpu.async_copy(rows1, tab_out.at[dst_b.at[1]], sems1,
                                 add=True)
                pltpu.make_async_copy(rows0, tab_out.at[dst_b.at[0]],
                                      sems0).wait()

                @pl.when(j + 2 < k)
                def _():
                    unpack(j + 2, 0)
                    pltpu.async_copy(tab_in.at[src_b.at[0]], rows0, semg0)

            pltpu.make_async_copy(rows1, tab_out.at[dst_b.at[1]],
                                  sems1).wait()
            plsc.subcore_barrier()

        def zero(tab):
            pltpu.sync_copy(z_ref, tab.at[rsl])
            plsc.subcore_barrier()

        one_round(t0, t1)
        zero(t0)
        one_round(t1, t0)
        zero(t1)
        one_round(t0, t1)

        @pl.when(sid < _NS - 1)
        def _():
            pltpu.sync_copy(t1.at[rsl], out_ref.at[rsl, csl])

        @pl.when(sid == _NS - 1)
        def _():
            pltpu.sync_copy(t1.at[pl.ds(r0, _TAIL)],
                            out_ref.at[pl.ds(r0, _TAIL), csl])

    return run(hs, pk3, zeros)


def kernel(x, edge_index, W, b):
    hs = _project(x, W, b)
    src = edge_index[0]
    dst = edge_index[1]
    e = src.shape[0]
    k = -(-e // (_NS * _B))
    k += k % 2
    pad = _NS * _B * k - e
    src_p = jnp.concatenate([src, jnp.zeros((pad,), jnp.int32)])
    dst_p = jnp.concatenate([dst, jnp.full((pad,), _N, jnp.int32)])
    pk3 = (dst_p * 16384 + src_p).reshape(_NS, k, _B)
    zeros = jnp.zeros((_ROWS_PER_SUB, _DH), jnp.float32)
    return _propagate(hs, pk3, zeros)

# --- scband reference (transcript-rebuilt; emitter-appended) ---
"""Pipeline reference for scband-simple-graph-convolution-90022514524541 (READ-ONLY COPY).

The authoritative reference and input builder live on the scoring server;
editing this copy changes nothing except your own understanding.
"""

import jax, jax.numpy as jnp
import numpy as np

N_NODES = 10000
N_EDGES = 320000
D_IN = 128
D_OUT = 128
ORDER = 3


def setup_inputs(seed: int = 0) -> dict:
    key = jax.random.key(seed)
    k1, k2, k3 = jax.random.split(key, 3)
    x = jax.random.normal(k1, (N_NODES, D_IN), dtype=jnp.float32)
    edge_index = jax.random.randint(k2, (2, N_EDGES), 0, N_NODES, dtype=jnp.int32)
    # Learned parameters of nn.Linear(in_features, out_features)
    W = jax.random.normal(k3, (D_IN, D_OUT), dtype=jnp.float32) * 0.05
    b = jnp.zeros((D_OUT,), dtype=jnp.float32)
    return {"x": x, "edge_index": edge_index, "W": W, "b": b}


def reference(x, edge_index, W, b):
    # output = self.W(x)
    out = x @ W + b
    src = edge_index[0]
    dst = edge_index[1]
    # for _ in range(order): output = spmm(graph, output)
    # spmm implemented as gather (by src) + scatter-add (by dst)
    for _ in range(ORDER):
        gathered = jnp.take(out, src, axis=0)
        out = jnp.zeros_like(out).at[dst].add(gathered)
    return out

if __name__ == "__main__":
    import jax
    _d = setup_inputs()
    print(jax.jit(kernel)(*tuple(_d.values())))

</pallas_src>

<mosaic_0001>
#map = affine_map<(d0, d1) -> (0, 0)>
#map1 = affine_map<(d0, d1) -> (0, 0, 0)>
module attributes {stable_mosaic.version = 14 : i64} {
  func.func @run(%arg0: i32, %arg1: i32, %arg2: memref<10000x128xf32, #tpu.memory_space<hbm>>, %arg3: memref<16x106x192xi32, #tpu.memory_space<hbm>>, %arg4: memref<640x64xf32, #tpu.memory_space<hbm>>, %arg5: memref<10000x128xf32, #tpu.memory_space<hbm>>, %arg6: memref<106x192xi32, #tpu.memory_space<vmem>>, %arg7: memref<2x192xi32, #tpu.memory_space<vmem>>, %arg8: memref<2x192xi32, #tpu.memory_space<vmem>>, %arg9: memref<192x64xf32, #tpu.memory_space<vmem>>, %arg10: memref<192x64xf32, #tpu.memory_space<vmem>>, %arg11: memref<!tpu.dma_semaphore, #tpu.memory_space<semaphore_mem>>, %arg12: memref<!tpu.dma_semaphore, #tpu.memory_space<semaphore_mem>>, %arg13: memref<!tpu.dma_semaphore, #tpu.memory_space<semaphore_mem>>, %arg14: memref<!tpu.dma_semaphore, #tpu.memory_space<semaphore_mem>>, %arg15: memref<10240x64xf32, #tpu.memory_space<vmem_shared>>, %arg16: memref<10240x64xf32, #tpu.memory_space<vmem_shared>>) attributes {dimension_semantics = [#tpu.dimension_semantics<core_parallel>, #tpu.dimension_semantics<subcore_parallel>], iteration_bounds = array<i64: 2, 16>, scalar_prefetch = 0 : i64, scratch_operands = 11 : i64, tpu.core_type = #tpu.core_type<sc_vector_subcore>, window_params = [{transform_indices = #map}, {transform_indices = #map1}, {transform_indices = #map}, {transform_indices = #map}]} {
    %mul3A = arith.constant 640 : i32
    %mul3A_0 = arith.muli %arg1, %mul3A : i32
    %mul3A_1 = arith.constant 64 : i32
    %mul3A_2 = arith.muli %arg0, %mul3A_1 : i32
    "tpu.region"() ({
      %run_scoped3A = tpu.sem_alloc : memref<!tpu.dma_semaphore, #tpu.memory_space<semaphore_mem>>
      %dma_start3A_93 = arith.constant 0 : i32
      %dma_start3A_94 = arith.constant 0 : i32
      %dma_start3A_95 = tpu.memref_slice %arg3[%arg1, %dma_start3A_93, %dma_start3A_94] : memref<16x106x192xi32, #tpu.memory_space<hbm>> -> memref<1x106x192xi32, #tpu.memory_space<hbm>>
      %dma_start3A_96 = tpu.memref_squeeze %dma_start3A_95 : memref<1x106x192xi32, #tpu.memory_space<hbm>> -> memref<106x192xi32, #tpu.memory_space<hbm>>
      %dma_start3A_97 = arith.constant 0 : i32
      %dma_start3A_98 = arith.constant 0 : i32
      %dma_start3A_99 = tpu.memref_slice %arg3[%arg1, %dma_start3A_97, %dma_start3A_98] : memref<16x106x192xi32, #tpu.memory_space<hbm>> -> memref<1x106x192xi32, #tpu.memory_space<hbm>>
      %dma_start3A_100 = tpu.memref_squeeze %dma_start3A_99 : memref<1x106x192xi32, #tpu.memory_space<hbm>> -> memref<106x192xi32, #tpu.memory_space<hbm>>
      tpu.enqueue_dma source(%dma_start3A_100 : memref<106x192xi32, #tpu.memory_space<hbm>>) target(%arg6 : memref<106x192xi32, #tpu.memory_space<vmem>>) target_semaphore(%run_scoped3A : memref<!tpu.dma_semaphore, #tpu.memory_space<semaphore_mem>>)
      %dma_wait3A_101 = arith.constant 0 : i32
      %dma_wait3A_102 = arith.constant 0 : i32
      %dma_wait3A_103 = tpu.memref_slice %arg3[%arg1, %dma_wait3A_101, %dma_wait3A_102] : memref<16x106x192xi32, #tpu.memory_space<hbm>> -> memref<1x106x192xi32, #tpu.memory_space<hbm>>
      %dma_wait3A_104 = tpu.memref_squeeze %dma_wait3A_103 : memref<1x106x192xi32, #tpu.memory_space<hbm>> -> memref<106x192xi32, #tpu.memory_space<hbm>>
      %dma_wait3A_105 = arith.constant 0 : i32
      %dma_wait3A_106 = arith.constant 0 : i32
      %dma_wait3A_107 = tpu.memref_slice %arg3[%arg1, %dma_wait3A_105, %dma_wait3A_106] : memref<16x106x192xi32, #tpu.memory_space<hbm>> -> memref<1x106x192xi32, #tpu.memory_space<hbm>>
      %dma_wait3A_108 = tpu.memref_squeeze %dma_wait3A_107 : memref<1x106x192xi32, #tpu.memory_space<hbm>> -> memref<106x192xi32, #tpu.memory_space<hbm>>
      tpu.wait_dma2 semaphore(%run_scoped3A : memref<!tpu.dma_semaphore, #tpu.memory_space<semaphore_mem>>) src(%dma_wait3A_108 : memref<106x192xi32, #tpu.memory_space<hbm>>) dst(%arg6 : memref<106x192xi32, #tpu.memory_space<vmem>>)
      tpu.yield
    }) : () -> ()
    %lt3A = arith.constant 15 : i32
    %lt3A_3 = arith.cmpi slt, %arg1, %lt3A : i32
    %convert_element_type3A = arith.extui %lt3A_3 : i1 to i32
    %cond3A = arith.constant 0 : i32
    %cond3A_4 = arith.cmpi ne, %convert_element_type3A, %cond3A : i32
    scf.if %cond3A_4 {
      "tpu.region"() ({
        %run_scoped3A = tpu.sem_alloc : memref<!tpu.dma_semaphore, #tpu.memory_space<semaphore_mem>>
        %dma_start3A_93 = arith.constant 0 : i32
        %dma_start3A_94 = tpu.memref_slice %arg15[%mul3A_0, %dma_start3A_93] : memref<10240x64xf32, #tpu.memory_space<vmem_shared>> -> memref<640x64xf32, #tpu.memory_space<vmem_shared>>
        %dma_start3A_95 = tpu.memref_slice %arg2[%mul3A_0, %mul3A_2] : memref<10000x128xf32, #tpu.memory_space<hbm>> -> memref<640x64xf32, #tpu.memory_space<hbm>>
        tpu.enqueue_dma source(%dma_start3A_95 : memref<640x64xf32, #tpu.memory_space<hbm>>) target(%dma_start3A_94 : memref<640x64xf32, #tpu.memory_space<vmem_shared>>) target_semaphore(%run_scoped3A : memref<!tpu.dma_semaphore, #tpu.memory_space<semaphore_mem>>)
        %dma_wait3A_96 = arith.constant 0 : i32
        %dma_wait3A_97 = tpu.memref_slice %arg15[%mul3A_0, %dma_wait3A_96] : memref<10240x64xf32, #tpu.memory_space<vmem_shared>> -> memref<640x64xf32, #tpu.memory_space<vmem_shared>>
        %dma_wait3A_98 = tpu.memref_slice %arg2[%mul3A_0, %mul3A_2] : memref<10000x128xf32, #tpu.memory_space<hbm>> -> memref<640x64xf32, #tpu.memory_space<hbm>>
        tpu.wait_dma2 semaphore(%run_scoped3A : memref<!tpu.dma_semaphore, #tpu.memory_space<semaphore_mem>>) src(%dma_wait3A_98 : memref<640x64xf32, #tpu.memory_space<hbm>>) dst(%dma_wait3A_97 : memref<640x64xf32, #tpu.memory_space<vmem_shared>>)
        tpu.yield
      }) : () -> ()
    } else {
    }
    %eq3A = arith.constant 15 : i32
    %eq3A_5 = arith.cmpi eq, %arg1, %eq3A : i32
    %convert_element_type3A_6 = arith.extui %eq3A_5 : i1 to i32
    %cond3A_7 = arith.constant 0 : i32
    %cond3A_8 = arith.cmpi ne, %convert_element_type3A_6, %cond3A_7 : i32
    scf.if %cond3A_8 {
      "tpu.region"() ({
        %run_scoped3A = tpu.sem_alloc : memref<!tpu.dma_semaphore, #tpu.memory_space<semaphore_mem>>
        %dma_start3A_93 = arith.constant 0 : i32
        %dma_start3A_94 = tpu.memref_slice %arg15[%mul3A_0, %dma_start3A_93] : memref<10240x64xf32, #tpu.memory_space<vmem_shared>> -> memref<400x64xf32, #tpu.memory_space<vmem_shared>>
        %dma_start3A_95 = tpu.memref_slice %arg2[%mul3A_0, %mul3A_2] : memref<10000x128xf32, #tpu.memory_space<hbm>> -> memref<400x64xf32, #tpu.memory_space<hbm>>
        tpu.enqueue_dma source(%dma_start3A_95 : memref<400x64xf32, #tpu.memory_space<hbm>>) target(%dma_start3A_94 : memref<400x64xf32, #tpu.memory_space<vmem_shared>>) target_semaphore(%run_scoped3A : memref<!tpu.dma_semaphore, #tpu.memory_space<semaphore_mem>>)
        %dma_wait3A_96 = arith.constant 0 : i32
        %dma_wait3A_97 = tpu.memref_slice %arg15[%mul3A_0, %dma_wait3A_96] : memref<10240x64xf32, #tpu.memory_space<vmem_shared>> -> memref<400x64xf32, #tpu.memory_space<vmem_shared>>
        %dma_wait3A_98 = tpu.memref_slice %arg2[%mul3A_0, %mul3A_2] : memref<10000x128xf32, #tpu.memory_space<hbm>> -> memref<400x64xf32, #tpu.memory_space<hbm>>
        tpu.wait_dma2 semaphore(%run_scoped3A : memref<!tpu.dma_semaphore, #tpu.memory_space<semaphore_mem>>) src(%dma_wait3A_98 : memref<400x64xf32, #tpu.memory_space<hbm>>) dst(%dma_wait3A_97 : memref<400x64xf32, #tpu.memory_space<vmem_shared>>)
        tpu.yield
      }) : () -> ()
    } else {
    }
    "tpu.region"() ({
      %run_scoped3A = tpu.sem_alloc : memref<!tpu.dma_semaphore, #tpu.memory_space<semaphore_mem>>
      %dma_start3A_93 = arith.constant 0 : i32
      %dma_start3A_94 = tpu.memref_slice %arg16[%mul3A_0, %dma_start3A_93] : memref<10240x64xf32, #tpu.memory_space<vmem_shared>> -> memref<640x64xf32, #tpu.memory_space<vmem_shared>>
      tpu.enqueue_dma source(%arg4 : memref<640x64xf32, #tpu.memory_space<hbm>>) target(%dma_start3A_94 : memref<640x64xf32, #tpu.memory_space<vmem_shared>>) target_semaphore(%run_scoped3A : memref<!tpu.dma_semaphore, #tpu.memory_space<semaphore_mem>>)
      %dma_wait3A_95 = arith.constant 0 : i32
      %dma_wait3A_96 = tpu.memref_slice %arg16[%mul3A_0, %dma_wait3A_95] : memref<10240x64xf32, #tpu.memory_space<vmem_shared>> -> memref<640x64xf32, #tpu.memory_space<vmem_shared>>
      tpu.wait_dma2 semaphore(%run_scoped3A : memref<!tpu.dma_semaphore, #tpu.memory_space<semaphore_mem>>) src(%arg4 : memref<640x64xf32, #tpu.memory_space<hbm>>) dst(%dma_wait3A_96 : memref<640x64xf32, #tpu.memory_space<vmem_shared>>)
      tpu.yield
    }) : () -> ()
    %barrier3A = arith.constant 0 : index
    tpu.barrier barrier_id(%barrier3A)
    %scan3A = arith.constant 0 : i32
    %scan3A_9 = arith.constant 12 : i32
    %scan3A_10 = arith.addi %scan3A, %scan3A_9 : i32
    %scan3A_11 = arith.constant 1 : i32
    scf.for %scan3A_93 = %scan3A to %scan3A_10 step %scan3A_11  : i32 {
      %mul3A_94 = arith.constant 1 : i32
      %mul3A_95 = arith.muli %scan3A_93, %mul3A_94 : i32
      %add3A = arith.constant 0 : i32
      %add3A_96 = arith.addi %add3A, %mul3A_95 : i32
      %mul3A_97 = arith.constant 16 : i32
      %mul3A_98 = arith.muli %mul3A_97, %add3A_96 : i32
      %get3A = arith.constant 0 : i32
      %get3A_99 = arith.index_cast %get3A : i32 to index
      %get3A_100 = arith.index_cast %mul3A_98 : i32 to index
      %get3A_101 = tpu.vector_load %arg6[%get3A_99, %get3A_100] {strides = array<i32>} : memref<106x192xi32, #tpu.memory_space<vmem>>, vector<1x16xi32>,
      %get3A_102 = vector.shape_cast %get3A_101 : vector<1x16xi32> to vector<16xi32>
      %and3A = arith.constant 16383 : i32
      %and3A_103 = vector.broadcast %and3A : i32 to vector<16xi32>
      %and3A_104 = arith.andi %get3A_102, %and3A_103 : vector<16xi32>
      %mul3A_105 = arith.constant 16 : i32
      %mul3A_106 = arith.muli %mul3A_105, %add3A_96 : i32
      %swap3A = arith.constant 0 : i32
      %swap3A_107 = arith.index_cast %swap3A : i32 to index
      %swap3A_108 = arith.index_cast %mul3A_106 : i32 to index
      %swap3A_109 = tpu.vector_load %arg7[%swap3A_107, %swap3A_108] {strides = array<i32>} : memref<2x192xi32, #tpu.memory_space<vmem>>, vector<1x16xi32>,
      %swap3A_110 = vector.shape_cast %swap3A_109 : vector<1x16xi32> to vector<16xi32>
      %swap3A_111 = vector.shape_cast %and3A_104 : vector<16xi32> to vector<1x16xi32>
      tpu.vector_store %arg7[%swap3A_107, %swap3A_108], %swap3A_111 {strides = array<i32>} : memref<2x192xi32, #tpu.memory_space<vmem>>, vector<1x16xi32>,
      %shift_right_logical3A = arith.constant 14 : i32
      %shift_right_logical3A_112 = vector.broadcast %shift_right_logical3A : i32 to vector<16xi32>
      %shift_right_logical3A_113 = arith.shrui %get3A_102, %shift_right_logical3A_112 : vector<16xi32>
      %mul3A_114 = arith.constant 16 : i32
      %mul3A_115 = arith.muli %mul3A_114, %add3A_96 : i32
      %swap3A_116 = arith.constant 0 : i32
      %swap3A_117 = arith.index_cast %swap3A_116 : i32 to index
      %swap3A_118 = arith.index_cast %mul3A_115 : i32 to index
      %swap3A_119 = tpu.vector_load %arg8[%swap3A_117, %swap3A_118] {strides = array<i32>} : memref<2x192xi32, #tpu.memory_space<vmem>>, vector<1x16xi32>,
      %swap3A_120 = vector.shape_cast %swap3A_119 : vector<1x16xi32> to vector<16xi32>
      %swap3A_121 = vector.shape_cast %shift_right_logical3A_113 : vector<16xi32> to vector<1x16xi32>
      tpu.vector_store %arg8[%swap3A_117, %swap3A_118], %swap3A_121 {strides = array<i32>} : memref<2x192xi32, #tpu.memory_space<vmem>>, vector<1x16xi32>,
    }
    %scan3A_12 = arith.constant 12 : i32
    %dma_start3A = arith.constant 0 : i32
    %dma_start3A_13 = arith.constant 0 : i32
    %dma_start3A_14 = tpu.memref_slice %arg7[%dma_start3A, %dma_start3A_13] : memref<2x192xi32, #tpu.memory_space<vmem>> -> memref<1x192xi32, #tpu.memory_space<vmem>>
    %dma_start3A_15 = tpu.memref_squeeze %dma_start3A_14 : memref<1x192xi32, #tpu.memory_space<vmem>> -> memref<192xi32, #tpu.memory_space<vmem>>
    %dma_start3A_16 = arith.constant 0 : i32
    %dma_start3A_17 = arith.constant 0 : i32
    %dma_start3A_18 = tpu.memref_slice %arg15[%dma_start3A_16, %dma_start3A_17] : memref<10240x64xf32, #tpu.memory_space<vmem_shared>> -> memref<10240x64xf32, #tpu.memory_space<vmem_shared>>
    tpu.enqueue_indirect_dma source(%dma_start3A_18 : memref<10240x64xf32, #tpu.memory_space<vmem_shared>>) target(%arg9 : memref<192x64xf32, #tpu.memory_space<vmem>>) offsets(%dma_start3A_15 : memref<192xi32, #tpu.memory_space<vmem>>) semaphore(%arg11 : memref<!tpu.dma_semaphore, #tpu.memory_space<semaphore_mem>>)
    %scan3A_19 = arith.constant 0 : i32
    %scan3A_20 = arith.constant 53 : i32
    %scan3A_21 = arith.addi %scan3A_19, %scan3A_20 : i32
    %scan3A_22 = arith.constant 1 : i32
    scf.for %scan3A_93 = %scan3A_19 to %scan3A_21 step %scan3A_22  : i32 {
      %mul3A_94 = arith.constant 1 : i32
      %mul3A_95 = arith.muli %scan3A_93, %mul3A_94 : i32
      %add3A = arith.constant 0 : i32
      %add3A_96 = arith.addi %add3A, %mul3A_95 : i32
      %mul3A_97 = arith.constant 2 : i32
      %mul3A_98 = arith.muli %mul3A_97, %add3A_96 : i32
      %dma_wait3A_99 = arith.constant 0 : i32
      %dma_wait3A_100 = arith.constant 0 : i32
      %dma_wait3A_101 = tpu.memref_slice %arg7[%dma_wait3A_99, %dma_wait3A_100] : memref<2x192xi32, #tpu.memory_space<vmem>> -> memref<1x192xi32, #tpu.memory_space<vmem>>
      %dma_wait3A_102 = tpu.memref_squeeze %dma_wait3A_101 : memref<1x192xi32, #tpu.memory_space<vmem>> -> memref<192xi32, #tpu.memory_space<vmem>>
      %dma_wait3A_103 = arith.constant 0 : i32
      %dma_wait3A_104 = arith.constant 0 : i32
      %dma_wait3A_105 = tpu.memref_slice %arg15[%dma_wait3A_103, %dma_wait3A_104] : memref<10240x64xf32, #tpu.memory_space<vmem_shared>> -> memref<10240x64xf32, #tpu.memory_space<vmem_shared>>
      tpu.wait_indirect_dma semaphore(%arg11 : memref<!tpu.dma_semaphore, #tpu.memory_space<semaphore_mem>>) src(%dma_wait3A_105 : memref<10240x64xf32, #tpu.memory_space<vmem_shared>>) dst(%arg9 : memref<192x64xf32, #tpu.memory_space<vmem>>)
      %dma_start3A_106 = arith.constant 0 : i32
      %dma_start3A_107 = arith.constant 0 : i32
      %dma_start3A_108 = tpu.memref_slice %arg8[%dma_start3A_106, %dma_start3A_107] : memref<2x192xi32, #tpu.memory_space<vmem>> -> memref<1x192xi32, #tpu.memory_space<vmem>>
      %dma_start3A_109 = tpu.memref_squeeze %dma_start3A_108 : memref<1x192xi32, #tpu.memory_space<vmem>> -> memref<192xi32, #tpu.memory_space<vmem>>
      %dma_start3A_110 = arith.constant 0 : i32
      %dma_start3A_111 = arith.constant 0 : i32
      %dma_start3A_112 = tpu.memref_slice %arg16[%dma_start3A_110, %dma_start3A_111] : memref<10240x64xf32, #tpu.memory_space<vmem_shared>> -> memref<10240x64xf32, #tpu.memory_space<vmem_shared>>
      tpu.enqueue_indirect_dma source(%arg9 : memref<192x64xf32, #tpu.memory_space<vmem>>) target(%dma_start3A_112 : memref<10240x64xf32, #tpu.memory_space<vmem_shared>>) offsets(%dma_start3A_109 : memref<192xi32, #tpu.memory_space<vmem>>) semaphore(%arg13 : memref<!tpu.dma_semaphore, #tpu.memory_space<semaphore_mem>>) {add = true}
      %gt3A = arith.constant 0 : i32
      %gt3A_113 = arith.cmpi sgt, %add3A_96, %gt3A : i32
      %convert_element_type3A_114 = arith.extui %gt3A_113 : i1 to i32
      %cond3A_115 = arith.constant 0 : i32
      %cond3A_116 = arith.cmpi ne, %convert_element_type3A_114, %cond3A_115 : i32
      scf.if %cond3A_116 {
        %dma_wait3A_159 = arith.constant 1 : i32
        %dma_wait3A_160 = arith.constant 0 : i32
        %dma_wait3A_161 = tpu.memref_slice %arg8[%dma_wait3A_159, %dma_wait3A_160] : memref<2x192xi32, #tpu.memory_space<vmem>> -> memref<1x192xi32, #tpu.memory_space<vmem>>
        %dma_wait3A_162 = tpu.memref_squeeze %dma_wait3A_161 : memref<1x192xi32, #tpu.memory_space<vmem>> -> memref<192xi32, #tpu.memory_space<vmem>>
        %dma_wait3A_163 = arith.constant 0 : i32
        %dma_wait3A_164 = arith.constant 0 : i32
        %dma_wait3A_165 = tpu.memref_slice %arg16[%dma_wait3A_163, %dma_wait3A_164] : memref<10240x64xf32, #tpu.memory_space<vmem_shared>> -> memref<10240x64xf32, #tpu.memory_space<vmem_shared>>
        tpu.wait_indirect_dma semaphore(%arg14 : memref<!tpu.dma_semaphore, #tpu.memory_space<semaphore_mem>>) src(%arg10 : memref<192x64xf32, #tpu.memory_space<vmem>>) dst(%dma_wait3A_165 : memref<10240x64xf32, #tpu.memory_space<vmem_shared>>)
      } else {
      }
      %add3A_117 = arith.constant 1 : i32
      %add3A_118 = arith.addi %mul3A_98, %add3A_117 : i32
      %scan3A_119 = arith.constant 0 : i32
      %scan3A_120 = arith.constant 12 : i32
      %scan3A_121 = arith.addi %scan3A_119, %scan3A_120 : i32
      %scan3A_122 = arith.constant 1 : i32
      scf.for %scan3A_159 = %scan3A_119 to %scan3A_121 step %scan3A_122  : i32 {
        %mul3A_160 = arith.constant 1 : i32
        %mul3A_161 = arith.muli %scan3A_159, %mul3A_160 : i32
        %add3A_162 = arith.constant 0 : i32
        %add3A_163 = arith.addi %add3A_162, %mul3A_161 : i32
        %mul3A_164 = arith.constant 16 : i32
        %mul3A_165 = arith.muli %mul3A_164, %add3A_163 : i32
        %get3A = arith.index_cast %add3A_118 : i32 to index
        %get3A_166 = arith.index_cast %mul3A_165 : i32 to index
        %get3A_167 = tpu.vector_load %arg6[%get3A, %get3A_166] {strides = array<i32>} : memref<106x192xi32, #tpu.memory_space<vmem>>, vector<1x16xi32>,
        %get3A_168 = vector.shape_cast %get3A_167 : vector<1x16xi32> to vector<16xi32>
        %and3A = arith.constant 16383 : i32
        %and3A_169 = vector.broadcast %and3A : i32 to vector<16xi32>
        %and3A_170 = arith.andi %get3A_168, %and3A_169 : vector<16xi32>
        %mul3A_171 = arith.constant 16 : i32
        %mul3A_172 = arith.muli %mul3A_171, %add3A_163 : i32
        %swap3A = arith.constant 1 : i32
        %swap3A_173 = arith.index_cast %swap3A : i32 to index
        %swap3A_174 = arith.index_cast %mul3A_172 : i32 to index
        %swap3A_175 = tpu.vector_load %arg7[%swap3A_173, %swap3A_174] {strides = array<i32>} : memref<2x192xi32, #tpu.memory_space<vmem>>, vector<1x16xi32>,
        %swap3A_176 = vector.shape_cast %swap3A_175 : vector<1x16xi32> to vector<16xi32>
        %swap3A_177 = vector.shape_cast %and3A_170 : vector<16xi32> to vector<1x16xi32>
        tpu.vector_store %arg7[%swap3A_173, %swap3A_174], %swap3A_177 {strides = array<i32>} : memref<2x192xi32, #tpu.memory_space<vmem>>, vector<1x16xi32>,
        %shift_right_logical3A = arith.constant 14 : i32
        %shift_right_logical3A_178 = vector.broadcast %shift_right_logical3A : i32 to vector<16xi32>
        %shift_right_logical3A_179 = arith.shrui %get3A_168, %shift_right_logical3A_178 : vector<16xi32>
        %mul3A_180 = arith.constant 16 : i32
        %mul3A_181 = arith.muli %mul3A_180, %add3A_163 : i32
        %swap3A_182 = arith.constant 1 : i32
        %swap3A_183 = arith.index_cast %swap3A_182 : i32 to index
        %swap3A_184 = arith.index_cast %mul3A_181 : i32 to index
        %swap3A_185 = tpu.vector_load %arg8[%swap3A_183, %swap3A_184] {strides = array<i32>} : memref<2x192xi32, #tpu.memory_space<vmem>>, vector<1x16xi32>,
        %swap3A_186 = vector.shape_cast %swap3A_185 : vector<1x16xi32> to vector<16xi32>
        %swap3A_187 = vector.shape_cast %shift_right_logical3A_179 : vector<16xi32> to vector<1x16xi32>
        tpu.vector_store %arg8[%swap3A_183, %swap3A_184], %swap3A_187 {strides = array<i32>} : memref<2x192xi32, #tpu.memory_space<vmem>>, vector<1x16xi32>,
      }
      %scan3A_123 = arith.constant 12 : i32
      %dma_start3A_124 = arith.constant 1 : i32
      %dma_start3A_125 = arith.constant 0 : i32
      %dma_start3A_126 = tpu.memref_slice %arg7[%dma_start3A_124, %dma_start3A_125] : memref<2x192xi32, #tpu.memory_space<vmem>> -> memref<1x192xi32, #tpu.memory_space<vmem>>
      %dma_start3A_127 = tpu.memref_squeeze %dma_start3A_126 : memref<1x192xi32, #tpu.memory_space<vmem>> -> memref<192xi32, #tpu.memory_space<vmem>>
      %dma_start3A_128 = arith.constant 0 : i32
      %dma_start3A_129 = arith.constant 0 : i32
      %dma_start3A_130 = tpu.memref_slice %arg15[%dma_start3A_128, %dma_start3A_129] : memref<10240x64xf32, #tpu.memory_space<vmem_shared>> -> memref<10240x64xf32, #tpu.memory_space<vmem_shared>>
      tpu.enqueue_indirect_dma source(%dma_start3A_130 : memref<10240x64xf32, #tpu.memory_space<vmem_shared>>) target(%arg10 : memref<192x64xf32, #tpu.memory_space<vmem>>) offsets(%dma_start3A_127 : memref<192xi32, #tpu.memory_space<vmem>>) semaphore(%arg12 : memref<!tpu.dma_semaphore, #tpu.memory_space<semaphore_mem>>)
      %dma_wait3A_131 = arith.constant 1 : i32
      %dma_wait3A_132 = arith.constant 0 : i32
      %dma_wait3A_133 = tpu.memref_slice %arg7[%dma_wait3A_131, %dma_wait3A_132] : memref<2x192xi32, #tpu.memory_space<vmem>> -> memref<1x192xi32, #tpu.memory_space<vmem>>
      %dma_wait3A_134 = tpu.memref_squeeze %dma_wait3A_133 : memref<1x192xi32, #tpu.memory_space<vmem>> -> memref<192xi32, #tpu.memory_space<vmem>>
      %dma_wait3A_135 = arith.constant 0 : i32
      %dma_wait3A_136 = arith.constant 0 : i32
      %dma_wait3A_137 = tpu.memref_slice %arg15[%dma_wait3A_135, %dma_wait3A_136] : memref<10240x64xf32, #tpu.memory_space<vmem_shared>> -> memref<10240x64xf32, #tpu.memory_space<vmem_shared>>
      tpu.wait_indirect_dma semaphore(%arg12 : memref<!tpu.dma_semaphore, #tpu.memory_space<semaphore_mem>>) src(%dma_wait3A_137 : memref<10240x64xf32, #tpu.memory_space<vmem_shared>>) dst(%arg10 : memref<192x64xf32, #tpu.memory_space<vmem>>)
      %dma_start3A_138 = arith.constant 1 : i32
      %dma_start3A_139 = arith.constant 0 : i32
      %dma_start3A_140 = tpu.memref_slice %arg8[%dma_start3A_138, %dma_start3A_139] : memref<2x192xi32, #tpu.memory_space<vmem>> -> memref<1x192xi32, #tpu.memory_space<vmem>>
      %dma_start3A_141 = tpu.memref_squeeze %dma_start3A_140 : memref<1x192xi32, #tpu.memory_space<vmem>> -> memref<192xi32, #tpu.memory_space<vmem>>
      %dma_start3A_142 = arith.constant 0 : i32
      %dma_start3A_143 = arith.constant 0 : i32
      %dma_start3A_144 = tpu.memref_slice %arg16[%dma_start3A_142, %dma_start3A_143] : memref<10240x64xf32, #tpu.memory_space<vmem_shared>> -> memref<10240x64xf32, #tpu.memory_space<vmem_shared>>
      tpu.enqueue_indirect_dma source(%arg10 : memref<192x64xf32, #tpu.memory_space<vmem>>) target(%dma_start3A_144 : memref<10240x64xf32, #tpu.memory_space<vmem_shared>>) offsets(%dma_start3A_141 : memref<192xi32, #tpu.memory_space<vmem>>) semaphore(%arg14 : memref<!tpu.dma_semaphore, #tpu.memory_space<semaphore_mem>>) {add = true}
      %dma_wait3A_145 = arith.constant 0 : i32
      %dma_wait3A_146 = arith.constant 0 : i32
      %dma_wait3A_147 = tpu.memref_slice %arg8[%dma_wait3A_145, %dma_wait3A_146] : memref<2x192xi32, #tpu.memory_space<vmem>> -> memref<1x192xi32, #tpu.memory_space<vmem>>
      %dma_wait3A_148 = tpu.memref_squeeze %dma_wait3A_147 : memref<1x192xi32, #tpu.memory_space<vmem>> -> memref<192xi32, #tpu.memory_space<vmem>>
      %dma_wait3A_149 = arith.constant 0 : i32
      %dma_wait3A_150 = arith.constant 0 : i32
      %dma_wait3A_151 = tpu.memref_slice %arg16[%dma_wait3A_149, %dma_wait3A_150] : memref<10240x64xf32, #tpu.memory_space<vmem_shared>> -> memref<10240x64xf32, #tpu.memory_space<vmem_shared>>
      tpu.wait_indirect_dma semaphore(%arg13 : memref<!tpu.dma_semaphore, #tpu.memory_space<semaphore_mem>>) src(%arg9 : memref<192x64xf32, #tpu.memory_space<vmem>>) dst(%dma_wait3A_151 : memref<10240x64xf32, #tpu.memory_space<vmem_shared>>)
      %add3A_152 = arith.constant 2 : i32
      %add3A_153 = arith.addi %mul3A_98, %add3A_152 : i32
      %lt3A_154 = arith.constant 106 : i32
      %lt3A_155 = arith.cmpi slt, %add3A_153, %lt3A_154 : i32
      %convert_element_type3A_156 = arith.extui %lt3A_155 : i1 to i32
      %cond3A_157 = arith.constant 0 : i32
      %cond3A_158 = arith.cmpi ne, %convert_element_type3A_156, %cond3A_157 : i32
      scf.if %cond3A_158 {
        %add3A_159 = arith.constant 2 : i32
        %add3A_160 = arith.addi %mul3A_98, %add3A_159 : i32
        %scan3A_161 = arith.constant 0 : i32
        %scan3A_162 = arith.constant 12 : i32
        %scan3A_163 = arith.addi %scan3A_161, %scan3A_162 : i32
        %scan3A_164 = arith.constant 1 : i32
        scf.for %scan3A_173 = %scan3A_161 to %scan3A_163 step %scan3A_164  : i32 {
          %mul3A_174 = arith.constant 1 : i32
          %mul3A_175 = arith.muli %scan3A_173, %mul3A_174 : i32
          %add3A_176 = arith.constant 0 : i32
          %add3A_177 = arith.addi %add3A_176, %mul3A_175 : i32
          %mul3A_178 = arith.constant 16 : i32
          %mul3A_179 = arith.muli %mul3A_178, %add3A_177 : i32
          %get3A = arith.index_cast %add3A_160 : i32 to index
          %get3A_180 = arith.index_cast %mul3A_179 : i32 to index
          %get3A_181 = tpu.vector_load %arg6[%get3A, %get3A_180] {strides = array<i32>} : memref<106x192xi32, #tpu.memory_space<vmem>>, vector<1x16xi32>,
          %get3A_182 = vector.shape_cast %get3A_181 : vector<1x16xi32> to vector<16xi32>
          %and3A = arith.constant 16383 : i32
          %and3A_183 = vector.broadcast %and3A : i32 to vector<16xi32>
          %and3A_184 = arith.andi %get3A_182, %and3A_183 : vector<16xi32>
          %mul3A_185 = arith.constant 16 : i32
          %mul3A_186 = arith.muli %mul3A_185, %add3A_177 : i32
          %swap3A = arith.constant 0 : i32
          %swap3A_187 = arith.index_cast %swap3A : i32 to index
          %swap3A_188 = arith.index_cast %mul3A_186 : i32 to index
          %swap3A_189 = tpu.vector_load %arg7[%swap3A_187, %swap3A_188] {strides = array<i32>} : memref<2x192xi32, #tpu.memory_space<vmem>>, vector<1x16xi32>,
          %swap3A_190 = vector.shape_cast %swap3A_189 : vector<1x16xi32> to vector<16xi32>
          %swap3A_191 = vector.shape_cast %and3A_184 : vector<16xi32> to vector<1x16xi32>
          tpu.vector_store %arg7[%swap3A_187, %swap3A_188], %swap3A_191 {strides = array<i32>} : memref<2x192xi32, #tpu.memory_space<vmem>>, vector<1x16xi32>,
          %shift_right_logical3A = arith.constant 14 : i32
          %shift_right_logical3A_192 = vector.broadcast %shift_right_logical3A : i32 to vector<16xi32>
          %shift_right_logical3A_193 = arith.shrui %get3A_182, %shift_right_logical3A_192 : vector<16xi32>
          %mul3A_194 = arith.constant 16 : i32
          %mul3A_195 = arith.muli %mul3A_194, %add3A_177 : i32
          %swap3A_196 = arith.constant 0 : i32
          %swap3A_197 = arith.index_cast %swap3A_196 : i32 to index
          %swap3A_198 = arith.index_cast %mul3A_195 : i32 to index
          %swap3A_199 = tpu.vector_load %arg8[%swap3A_197, %swap3A_198] {strides = array<i32>} : memref<2x192xi32, #tpu.memory_space<vmem>>, vector<1x16xi32>,
          %swap3A_200 = vector.shape_cast %swap3A_199 : vector<1x16xi32> to vector<16xi32>
          %swap3A_201 = vector.shape_cast %shift_right_logical3A_193 : vector<16xi32> to vector<1x16xi32>
          tpu.vector_store %arg8[%swap3A_197, %swap3A_198], %swap3A_201 {strides = array<i32>} : memref<2x192xi32, #tpu.memory_space<vmem>>, vector<1x16xi32>,
        }
        %scan3A_165 = arith.constant 12 : i32
        %dma_start3A_166 = arith.constant 0 : i32
        %dma_start3A_167 = arith.constant 0 : i32
        %dma_start3A_168 = tpu.memref_slice %arg7[%dma_start3A_166, %dma_start3A_167] : memref<2x192xi32, #tpu.memory_space<vmem>> -> memref<1x192xi32, #tpu.memory_space<vmem>>
        %dma_start3A_169 = tpu.memref_squeeze %dma_start3A_168 : memref<1x192xi32, #tpu.memory_space<vmem>> -> memref<192xi32, #tpu.memory_space<vmem>>
        %dma_start3A_170 = arith.constant 0 : i32
        %dma_start3A_171 = arith.constant 0 : i32
        %dma_start3A_172 = tpu.memref_slice %arg15[%dma_start3A_170, %dma_start3A_171] : memref<10240x64xf32, #tpu.memory_space<vmem_shared>> -> memref<10240x64xf32, #tpu.memory_space<vmem_shared>>
        tpu.enqueue_indirect_dma source(%dma_start3A_172 : memref<10240x64xf32, #tpu.memory_space<vmem_shared>>) target(%arg9 : memref<192x64xf32, #tpu.memory_space<vmem>>) offsets(%dma_start3A_169 : memref<192xi32, #tpu.memory_space<vmem>>) semaphore(%arg11 : memref<!tpu.dma_semaphore, #tpu.memory_space<semaphore_mem>>)
      } else {
      }
    }
    %scan3A_23 = arith.constant 53 : i32
    %dma_wait3A = arith.constant 1 : i32
    %dma_wait3A_24 = arith.constant 0 : i32
    %dma_wait3A_25 = tpu.memref_slice %arg8[%dma_wait3A, %dma_wait3A_24] : memref<2x192xi32, #tpu.memory_space<vmem>> -> memref<1x192xi32, #tpu.memory_space<vmem>>
    %dma_wait3A_26 = tpu.memref_squeeze %dma_wait3A_25 : memref<1x192xi32, #tpu.memory_space<vmem>> -> memref<192xi32, #tpu.memory_space<vmem>>
    %dma_wait3A_27 = arith.constant 0 : i32
    %dma_wait3A_28 = arith.constant 0 : i32
    %dma_wait3A_29 = tpu.memref_slice %arg16[%dma_wait3A_27, %dma_wait3A_28] : memref<10240x64xf32, #tpu.memory_space<vmem_shared>> -> memref<10240x64xf32, #tpu.memory_space<vmem_shared>>
    tpu.wait_indirect_dma semaphore(%arg14 : memref<!tpu.dma_semaphore, #tpu.memory_space<semaphore_mem>>) src(%arg10 : memref<192x64xf32, #tpu.memory_space<vmem>>) dst(%dma_wait3A_29 : memref<10240x64xf32, #tpu.memory_space<vmem_shared>>)
    %barrier3A_30 = arith.constant 0 : index
    tpu.barrier barrier_id(%barrier3A_30)
    "tpu.region"() ({
      %run_scoped3A = tpu.sem_alloc : memref<!tpu.dma_semaphore, #tpu.memory_space<semaphore_mem>>
      %dma_start3A_93 = arith.constant 0 : i32
      %dma_start3A_94 = tpu.memref_slice %arg15[%mul3A_0, %dma_start3A_93] : memref<10240x64xf32, #tpu.memory_space<vmem_shared>> -> memref<640x64xf32, #tpu.memory_space<vmem_shared>>
      tpu.enqueue_dma source(%arg4 : memref<640x64xf32, #tpu.memory_space<hbm>>) target(%dma_start3A_94 : memref<640x64xf32, #tpu.memory_space<vmem_shared>>) target_semaphore(%run_scoped3A : memref<!tpu.dma_semaphore, #tpu.memory_space<semaphore_mem>>)
      %dma_wait3A_95 = arith.constant 0 : i32
      %dma_wait3A_96 = tpu.memref_slice %arg15[%mul3A_0, %dma_wait3A_95] : memref<10240x64xf32, #tpu.memory_space<vmem_shared>> -> memref<640x64xf32, #tpu.memory_space<vmem_shared>>
      tpu.wait_dma2 semaphore(%run_scoped3A : memref<!tpu.dma_semaphore, #tpu.memory_space<semaphore_mem>>) src(%arg4 : memref<640x64xf32, #tpu.memory_space<hbm>>) dst(%dma_wait3A_96 : memref<640x64xf32, #tpu.memory_space<vmem_shared>>)
      tpu.yield
    }) : () -> ()
    %barrier3A_31 = arith.constant 0 : index
    tpu.barrier barrier_id(%barrier3A_31)
    %scan3A_32 = arith.constant 0 : i32
    %scan3A_33 = arith.constant 12 : i32
    %scan3A_34 = arith.addi %scan3A_32, %scan3A_33 : i32
    %scan3A_35 = arith.constant 1 : i32
    scf.for %scan3A_93 = %scan3A_32 to %scan3A_34 step %scan3A_35  : i32 {
      %mul3A_94 = arith.constant 1 : i32
      %mul3A_95 = arith.muli %scan3A_93, %mul3A_94 : i32
      %add3A = arith.constant 0 : i32
      %add3A_96 = arith.addi %add3A, %mul3A_95 : i32
      %mul3A_97 = arith.constant 16 : i32
      %mul3A_98 = arith.muli %mul3A_97, %add3A_96 : i32
      %get3A = arith.constant 0 : i32
      %get3A_99 = arith.index_cast %get3A : i32 to index
      %get3A_100 = arith.index_cast %mul3A_98 : i32 to index
      %get3A_101 = tpu.vector_load %arg6[%get3A_99, %get3A_100] {strides = array<i32>} : memref<106x192xi32, #tpu.memory_space<vmem>>, vector<1x16xi32>,
      %get3A_102 = vector.shape_cast %get3A_101 : vector<1x16xi32> to vector<16xi32>
      %and3A = arith.constant 16383 : i32
      %and3A_103 = vector.broadcast %and3A : i32 to vector<16xi32>
      %and3A_104 = arith.andi %get3A_102, %and3A_103 : vector<16xi32>
      %mul3A_105 = arith.constant 16 : i32
      %mul3A_106 = arith.muli %mul3A_105, %add3A_96 : i32
      %swap3A = arith.constant 0 : i32
      %swap3A_107 = arith.index_cast %swap3A : i32 to index
      %swap3A_108 = arith.index_cast %mul3A_106 : i32 to index
      %swap3A_109 = tpu.vector_load %arg7[%swap3A_107, %swap3A_108] {strides = array<i32>} : memref<2x192xi32, #tpu.memory_space<vmem>>, vector<1x16xi32>,
      %swap3A_110 = vector.shape_cast %swap3A_109 : vector<1x16xi32> to vector<16xi32>
      %swap3A_111 = vector.shape_cast %and3A_104 : vector<16xi32> to vector<1x16xi32>
      tpu.vector_store %arg7[%swap3A_107, %swap3A_108], %swap3A_111 {strides = array<i32>} : memref<2x192xi32, #tpu.memory_space<vmem>>, vector<1x16xi32>,
      %shift_right_logical3A = arith.constant 14 : i32
      %shift_right_logical3A_112 = vector.broadcast %shift_right_logical3A : i32 to vector<16xi32>
      %shift_right_logical3A_113 = arith.shrui %get3A_102, %shift_right_logical3A_112 : vector<16xi32>
      %mul3A_114 = arith.constant 16 : i32
      %mul3A_115 = arith.muli %mul3A_114, %add3A_96 : i32
      %swap3A_116 = arith.constant 0 : i32
      %swap3A_117 = arith.index_cast %swap3A_116 : i32 to index
      %swap3A_118 = arith.index_cast %mul3A_115 : i32 to index
      %swap3A_119 = tpu.vector_load %arg8[%swap3A_117, %swap3A_118] {strides = array<i32>} : memref<2x192xi32, #tpu.memory_space<vmem>>, vector<1x16xi32>,
      %swap3A_120 = vector.shape_cast %swap3A_119 : vector<1x16xi32> to vector<16xi32>
      %swap3A_121 = vector.shape_cast %shift_right_logical3A_113 : vector<16xi32> to vector<1x16xi32>
      tpu.vector_store %arg8[%swap3A_117, %swap3A_118], %swap3A_121 {strides = array<i32>} : memref<2x192xi32, #tpu.memory_space<vmem>>, vector<1x16xi32>,
    }
    %scan3A_36 = arith.constant 12 : i32
    %dma_start3A_37 = arith.constant 0 : i32
    %dma_start3A_38 = arith.constant 0 : i32
    %dma_start3A_39 = tpu.memref_slice %arg7[%dma_start3A_37, %dma_start3A_38] : memref<2x192xi32, #tpu.memory_space<vmem>> -> memref<1x192xi32, #tpu.memory_space<vmem>>
    %dma_start3A_40 = tpu.memref_squeeze %dma_start3A_39 : memref<1x192xi32, #tpu.memory_space<vmem>> -> memref<192xi32, #tpu.memory_space<vmem>>
    %dma_start3A_41 = arith.constant 0 : i32
    %dma_start3A_42 = arith.constant 0 : i32
    %dma_start3A_43 = tpu.memref_slice %arg16[%dma_start3A_41, %dma_start3A_42] : memref<10240x64xf32, #tpu.memory_space<vmem_shared>> -> memref<10240x64xf32, #tpu.memory_space<vmem_shared>>
    tpu.enqueue_indirect_dma source(%dma_start3A_43 : memref<10240x64xf32, #tpu.memory_space<vmem_shared>>) target(%arg9 : memref<192x64xf32, #tpu.memory_space<vmem>>) offsets(%dma_start3A_40 : memref<192xi32, #tpu.memory_space<vmem>>) semaphore(%arg11 : memref<!tpu.dma_semaphore, #tpu.memory_space<semaphore_mem>>)
    %scan3A_44 = arith.constant 0 : i32
    %scan3A_45 = arith.constant 53 : i32
    %scan3A_46 = arith.addi %scan3A_44, %scan3A_45 : i32
    %scan3A_47 = arith.constant 1 : i32
    scf.for %scan3A_93 = %scan3A_44 to %scan3A_46 step %scan3A_47  : i32 {
      %mul3A_94 = arith.constant 1 : i32
      %mul3A_95 = arith.muli %scan3A_93, %mul3A_94 : i32
      %add3A = arith.constant 0 : i32
      %add3A_96 = arith.addi %add3A, %mul3A_95 : i32
      %mul3A_97 = arith.constant 2 : i32
      %mul3A_98 = arith.muli %mul3A_97, %add3A_96 : i32
      %dma_wait3A_99 = arith.constant 0 : i32
      %dma_wait3A_100 = arith.constant 0 : i32
      %dma_wait3A_101 = tpu.memref_slice %arg7[%dma_wait3A_99, %dma_wait3A_100] : memref<2x192xi32, #tpu.memory_space<vmem>> -> memref<1x192xi32, #tpu.memory_space<vmem>>
      %dma_wait3A_102 = tpu.memref_squeeze %dma_wait3A_101 : memref<1x192xi32, #tpu.memory_space<vmem>> -> memref<192xi32, #tpu.memory_space<vmem>>
      %dma_wait3A_103 = arith.constant 0 : i32
      %dma_wait3A_104 = arith.constant 0 : i32
      %dma_wait3A_105 = tpu.memref_slice %arg16[%dma_wait3A_103, %dma_wait3A_104] : memref<10240x64xf32, #tpu.memory_space<vmem_shared>> -> memref<10240x64xf32, #tpu.memory_space<vmem_shared>>
      tpu.wait_indirect_dma semaphore(%arg11 : memref<!tpu.dma_semaphore, #tpu.memory_space<semaphore_mem>>) src(%dma_wait3A_105 : memref<10240x64xf32, #tpu.memory_space<vmem_shared>>) dst(%arg9 : memref<192x64xf32, #tpu.memory_space<vmem>>)
      %dma_start3A_106 = arith.constant 0 : i32
      %dma_start3A_107 = arith.constant 0 : i32
      %dma_start3A_108 = tpu.memref_slice %arg8[%dma_start3A_106, %dma_start3A_107] : memref<2x192xi32, #tpu.memory_space<vmem>> -> memref<1x192xi32, #tpu.memory_space<vmem>>
      %dma_start3A_109 = tpu.memref_squeeze %dma_start3A_108 : memref<1x192xi32, #tpu.memory_space<vmem>> -> memref<192xi32, #tpu.memory_space<vmem>>
      %dma_start3A_110 = arith.constant 0 : i32
      %dma_start3A_111 = arith.constant 0 : i32
      %dma_start3A_112 = tpu.memref_slice %arg15[%dma_start3A_110, %dma_start3A_111] : memref<10240x64xf32, #tpu.memory_space<vmem_shared>> -> memref<10240x64xf32, #tpu.memory_space<vmem_shared>>
      tpu.enqueue_indirect_dma source(%arg9 : memref<192x64xf32, #tpu.memory_space<vmem>>) target(%dma_start3A_112 : memref<10240x64xf32, #tpu.memory_space<vmem_shared>>) offsets(%dma_start3A_109 : memref<192xi32, #tpu.memory_space<vmem>>) semaphore(%arg13 : memref<!tpu.dma_semaphore, #tpu.memory_space<semaphore_mem>>) {add = true}
      %gt3A = arith.constant 0 : i32
      %gt3A_113 = arith.cmpi sgt, %add3A_96, %gt3A : i32
      %convert_element_type3A_114 = arith.extui %gt3A_113 : i1 to i32
      %cond3A_115 = arith.constant 0 : i32
      %cond3A_116 = arith.cmpi ne, %convert_element_type3A_114, %cond3A_115 : i32
      scf.if %cond3A_116 {
        %dma_wait3A_159 = arith.constant 1 : i32
        %dma_wait3A_160 = arith.constant 0 : i32
        %dma_wait3A_161 = tpu.memref_slice %arg8[%dma_wait3A_159, %dma_wait3A_160] : memref<2x192xi32, #tpu.memory_space<vmem>> -> memref<1x192xi32, #tpu.memory_space<vmem>>
        %dma_wait3A_162 = tpu.memref_squeeze %dma_wait3A_161 : memref<1x192xi32, #tpu.memory_space<vmem>> -> memref<192xi32, #tpu.memory_space<vmem>>
        %dma_wait3A_163 = arith.constant 0 : i32
        %dma_wait3A_164 = arith.constant 0 : i32
        %dma_wait3A_165 = tpu.memref_slice %arg15[%dma_wait3A_163, %dma_wait3A_164] : memref<10240x64xf32, #tpu.memory_space<vmem_shared>> -> memref<10240x64xf32, #tpu.memory_space<vmem_shared>>
        tpu.wait_indirect_dma semaphore(%arg14 : memref<!tpu.dma_semaphore, #tpu.memory_space<semaphore_mem>>) src(%arg10 : memref<192x64xf32, #tpu.memory_space<vmem>>) dst(%dma_wait3A_165 : memref<10240x64xf32, #tpu.memory_space<vmem_shared>>)
      } else {
      }
      %add3A_117 = arith.constant 1 : i32
      %add3A_118 = arith.addi %mul3A_98, %add3A_117 : i32
      %scan3A_119 = arith.constant 0 : i32
      %scan3A_120 = arith.constant 12 : i32
      %scan3A_121 = arith.addi %scan3A_119, %scan3A_120 : i32
      %scan3A_122 = arith.constant 1 : i32
      scf.for %scan3A_159 = %scan3A_119 to %scan3A_121 step %scan3A_122  : i32 {
        %mul3A_160 = arith.constant 1 : i32
        %mul3A_161 = arith.muli %scan3A_159, %mul3A_160 : i32
        %add3A_162 = arith.constant 0 : i32
        %add3A_163 = arith.addi %add3A_162, %mul3A_161 : i32
        %mul3A_164 = arith.constant 16 : i32
        %mul3A_165 = arith.muli %mul3A_164, %add3A_163 : i32
        %get3A = arith.index_cast %add3A_118 : i32 to index
        %get3A_166 = arith.index_cast %mul3A_165 : i32 to index
        %get3A_167 = tpu.vector_load %arg6[%get3A, %get3A_166] {strides = array<i32>} : memref<106x192xi32, #tpu.memory_space<vmem>>, vector<1x16xi32>,
        %get3A_168 = vector.shape_cast %get3A_167 : vector<1x16xi32> to vector<16xi32>
        %and3A = arith.constant 16383 : i32
        %and3A_169 = vector.broadcast %and3A : i32 to vector<16xi32>
        %and3A_170 = arith.andi %get3A_168, %and3A_169 : vector<16xi32>
        %mul3A_171 = arith.constant 16 : i32
        %mul3A_172 = arith.muli %mul3A_171, %add3A_163 : i32
        %swap3A = arith.constant 1 : i32
        %swap3A_173 = arith.index_cast %swap3A : i32 to index
        %swap3A_174 = arith.index_cast %mul3A_172 : i32 to index
        %swap3A_175 = tpu.vector_load %arg7[%swap3A_173, %swap3A_174] {strides = array<i32>} : memref<2x192xi32, #tpu.memory_space<vmem>>, vector<1x16xi32>,
        %swap3A_176 = vector.shape_cast %swap3A_175 : vector<1x16xi32> to vector<16xi32>
        %swap3A_177 = vector.shape_cast %and3A_170 : vector<16xi32> to vector<1x16xi32>
        tpu.vector_store %arg7[%swap3A_173, %swap3A_174], %swap3A_177 {strides = array<i32>} : memref<2x192xi32, #tpu.memory_space<vmem>>, vector<1x16xi32>,
        %shift_right_logical3A = arith.constant 14 : i32
        %shift_right_logical3A_178 = vector.broadcast %shift_right_logical3A : i32 to vector<16xi32>
        %shift_right_logical3A_179 = arith.shrui %get3A_168, %shift_right_logical3A_178 : vector<16xi32>
        %mul3A_180 = arith.constant 16 : i32
        %mul3A_181 = arith.muli %mul3A_180, %add3A_163 : i32
        %swap3A_182 = arith.constant 1 : i32
        %swap3A_183 = arith.index_cast %swap3A_182 : i32 to index
        %swap3A_184 = arith.index_cast %mul3A_181 : i32 to index
        %swap3A_185 = tpu.vector_load %arg8[%swap3A_183, %swap3A_184] {strides = array<i32>} : memref<2x192xi32, #tpu.memory_space<vmem>>, vector<1x16xi32>,
        %swap3A_186 = vector.shape_cast %swap3A_185 : vector<1x16xi32> to vector<16xi32>
        %swap3A_187 = vector.shape_cast %shift_right_logical3A_179 : vector<16xi32> to vector<1x16xi32>
        tpu.vector_store %arg8[%swap3A_183, %swap3A_184], %swap3A_187 {strides = array<i32>} : memref<2x192xi32, #tpu.memory_space<vmem>>, vector<1x16xi32>,
      }
      %scan3A_123 = arith.constant 12 : i32
      %dma_start3A_124 = arith.constant 1 : i32
      %dma_start3A_125 = arith.constant 0 : i32
      %dma_start3A_126 = tpu.memref_slice %arg7[%dma_start3A_124, %dma_start3A_125] : memref<2x192xi32, #tpu.memory_space<vmem>> -> memref<1x192xi32, #tpu.memory_space<vmem>>
      %dma_start3A_127 = tpu.memref_squeeze %dma_start3A_126 : memref<1x192xi32, #tpu.memory_space<vmem>> -> memref<192xi32, #tpu.memory_space<vmem>>
      %dma_start3A_128 = arith.constant 0 : i32
      %dma_start3A_129 = arith.constant 0 : i32
      %dma_start3A_130 = tpu.memref_slice %arg16[%dma_start3A_128, %dma_start3A_129] : memref<10240x64xf32, #tpu.memory_space<vmem_shared>> -> memref<10240x64xf32, #tpu.memory_space<vmem_shared>>
      tpu.enqueue_indirect_dma source(%dma_start3A_130 : memref<10240x64xf32, #tpu.memory_space<vmem_shared>>) target(%arg10 : memref<192x64xf32, #tpu.memory_space<vmem>>) offsets(%dma_start3A_127 : memref<192xi32, #tpu.memory_space<vmem>>) semaphore(%arg12 : memref<!tpu.dma_semaphore, #tpu.memory_space<semaphore_mem>>)
      %dma_wait3A_131 = arith.constant 1 : i32
      %dma_wait3A_132 = arith.constant 0 : i32
      %dma_wait3A_133 = tpu.memref_slice %arg7[%dma_wait3A_131, %dma_wait3A_132] : memref<2x192xi32, #tpu.memory_space<vmem>> -> memref<1x192xi32, #tpu.memory_space<vmem>>
      %dma_wait3A_134 = tpu.memref_squeeze %dma_wait3A_133 : memref<1x192xi32, #tpu.memory_space<vmem>> -> memref<192xi32, #tpu.memory_space<vmem>>
      %dma_wait3A_135 = arith.constant 0 : i32
      %dma_wait3A_136 = arith.constant 0 : i32
      %dma_wait3A_137 = tpu.memref_slice %arg16[%dma_wait3A_135, %dma_wait3A_136] : memref<10240x64xf32, #tpu.memory_space<vmem_shared>> -> memref<10240x64xf32, #tpu.memory_space<vmem_shared>>
      tpu.wait_indirect_dma semaphore(%arg12 : memref<!tpu.dma_semaphore, #tpu.memory_space<semaphore_mem>>) src(%dma_wait3A_137 : memref<10240x64xf32, #tpu.memory_space<vmem_shared>>) dst(%arg10 : memref<192x64xf32, #tpu.memory_space<vmem>>)
      %dma_start3A_138 = arith.constant 1 : i32
      %dma_start3A_139 = arith.constant 0 : i32
      %dma_start3A_140 = tpu.memref_slice %arg8[%dma_start3A_138, %dma_start3A_139] : memref<2x192xi32, #tpu.memory_space<vmem>> -> memref<1x192xi32, #tpu.memory_space<vmem>>
      %dma_start3A_141 = tpu.memref_squeeze %dma_start3A_140 : memref<1x192xi32, #tpu.memory_space<vmem>> -> memref<192xi32, #tpu.memory_space<vmem>>
      %dma_start3A_142 = arith.constant 0 : i32
      %dma_start3A_143 = arith.constant 0 : i32
      %dma_start3A_144 = tpu.memref_slice %arg15[%dma_start3A_142, %dma_start3A_143] : memref<10240x64xf32, #tpu.memory_space<vmem_shared>> -> memref<10240x64xf32, #tpu.memory_space<vmem_shared>>
      tpu.enqueue_indirect_dma source(%arg10 : memref<192x64xf32, #tpu.memory_space<vmem>>) target(%dma_start3A_144 : memref<10240x64xf32, #tpu.memory_space<vmem_shared>>) offsets(%dma_start3A_141 : memref<192xi32, #tpu.memory_space<vmem>>) semaphore(%arg14 : memref<!tpu.dma_semaphore, #tpu.memory_space<semaphore_mem>>) {add = true}
      %dma_wait3A_145 = arith.constant 0 : i32
      %dma_wait3A_146 = arith.constant 0 : i32
      %dma_wait3A_147 = tpu.memref_slice %arg8[%dma_wait3A_145, %dma_wait3A_146] : memref<2x192xi32, #tpu.memory_space<vmem>> -> memref<1x192xi32, #tpu.memory_space<vmem>>
      %dma_wait3A_148 = tpu.memref_squeeze %dma_wait3A_147 : memref<1x192xi32, #tpu.memory_space<vmem>> -> memref<192xi32, #tpu.memory_space<vmem>>
      %dma_wait3A_149 = arith.constant 0 : i32
      %dma_wait3A_150 = arith.constant 0 : i32
      %dma_wait3A_151 = tpu.memref_slice %arg15[%dma_wait3A_149, %dma_wait3A_150] : memref<10240x64xf32, #tpu.memory_space<vmem_shared>> -> memref<10240x64xf32, #tpu.memory_space<vmem_shared>>
      tpu.wait_indirect_dma semaphore(%arg13 : memref<!tpu.dma_semaphore, #tpu.memory_space<semaphore_mem>>) src(%arg9 : memref<192x64xf32, #tpu.memory_space<vmem>>) dst(%dma_wait3A_151 : memref<10240x64xf32, #tpu.memory_space<vmem_shared>>)
      %add3A_152 = arith.constant 2 : i32
      %add3A_153 = arith.addi %mul3A_98, %add3A_152 : i32
      %lt3A_154 = arith.constant 106 : i32
      %lt3A_155 = arith.cmpi slt, %add3A_153, %lt3A_154 : i32
      %convert_element_type3A_156 = arith.extui %lt3A_155 : i1 to i32
      %cond3A_157 = arith.constant 0 : i32
      %cond3A_158 = arith.cmpi ne, %convert_element_type3A_156, %cond3A_157 : i32
      scf.if %cond3A_158 {
        %add3A_159 = arith.constant 2 : i32
        %add3A_160 = arith.addi %mul3A_98, %add3A_159 : i32
        %scan3A_161 = arith.constant 0 : i32
        %scan3A_162 = arith.constant 12 : i32
        %scan3A_163 = arith.addi %scan3A_161, %scan3A_162 : i32
        %scan3A_164 = arith.constant 1 : i32
        scf.for %scan3A_173 = %scan3A_161 to %scan3A_163 step %scan3A_164  : i32 {
          %mul3A_174 = arith.constant 1 : i32
          %mul3A_175 = arith.muli %scan3A_173, %mul3A_174 : i32
          %add3A_176 = arith.constant 0 : i32
          %add3A_177 = arith.addi %add3A_176, %mul3A_175 : i32
          %mul3A_178 = arith.constant 16 : i32
          %mul3A_179 = arith.muli %mul3A_178, %add3A_177 : i32
          %get3A = arith.index_cast %add3A_160 : i32 to index
          %get3A_180 = arith.index_cast %mul3A_179 : i32 to index
          %get3A_181 = tpu.vector_load %arg6[%get3A, %get3A_180] {strides = array<i32>} : memref<106x192xi32, #tpu.memory_space<vmem>>, vector<1x16xi32>,
          %get3A_182 = vector.shape_cast %get3A_181 : vector<1x16xi32> to vector<16xi32>
          %and3A = arith.constant 16383 : i32
          %and3A_183 = vector.broadcast %and3A : i32 to vector<16xi32>
          %and3A_184 = arith.andi %get3A_182, %and3A_183 : vector<16xi32>
          %mul3A_185 = arith.constant 16 : i32
          %mul3A_186 = arith.muli %mul3A_185, %add3A_177 : i32
          %swap3A = arith.constant 0 : i32
          %swap3A_187 = arith.index_cast %swap3A : i32 to index
          %swap3A_188 = arith.index_cast %mul3A_186 : i32 to index
          %swap3A_189 = tpu.vector_load %arg7[%swap3A_187, %swap3A_188] {strides = array<i32>} : memref<2x192xi32, #tpu.memory_space<vmem>>, vector<1x16xi32>,
          %swap3A_190 = vector.shape_cast %swap3A_189 : vector<1x16xi32> to vector<16xi32>
          %swap3A_191 = vector.shape_cast %and3A_184 : vector<16xi32> to vector<1x16xi32>
          tpu.vector_store %arg7[%swap3A_187, %swap3A_188], %swap3A_191 {strides = array<i32>} : memref<2x192xi32, #tpu.memory_space<vmem>>, vector<1x16xi32>,
          %shift_right_logical3A = arith.constant 14 : i32
          %shift_right_logical3A_192 = vector.broadcast %shift_right_logical3A : i32 to vector<16xi32>
          %shift_right_logical3A_193 = arith.shrui %get3A_182, %shift_right_logical3A_192 : vector<16xi32>
          %mul3A_194 = arith.constant 16 : i32
          %mul3A_195 = arith.muli %mul3A_194, %add3A_177 : i32
          %swap3A_196 = arith.constant 0 : i32
          %swap3A_197 = arith.index_cast %swap3A_196 : i32 to index
          %swap3A_198 = arith.index_cast %mul3A_195 : i32 to index
          %swap3A_199 = tpu.vector_load %arg8[%swap3A_197, %swap3A_198] {strides = array<i32>} : memref<2x192xi32, #tpu.memory_space<vmem>>, vector<1x16xi32>,
          %swap3A_200 = vector.shape_cast %swap3A_199 : vector<1x16xi32> to vector<16xi32>
          %swap3A_201 = vector.shape_cast %shift_right_logical3A_193 : vector<16xi32> to vector<1x16xi32>
          tpu.vector_store %arg8[%swap3A_197, %swap3A_198], %swap3A_201 {strides = array<i32>} : memref<2x192xi32, #tpu.memory_space<vmem>>, vector<1x16xi32>,
        }
        %scan3A_165 = arith.constant 12 : i32
        %dma_start3A_166 = arith.constant 0 : i32
        %dma_start3A_167 = arith.constant 0 : i32
        %dma_start3A_168 = tpu.memref_slice %arg7[%dma_start3A_166, %dma_start3A_167] : memref<2x192xi32, #tpu.memory_space<vmem>> -> memref<1x192xi32, #tpu.memory_space<vmem>>
        %dma_start3A_169 = tpu.memref_squeeze %dma_start3A_168 : memref<1x192xi32, #tpu.memory_space<vmem>> -> memref<192xi32, #tpu.memory_space<vmem>>
        %dma_start3A_170 = arith.constant 0 : i32
        %dma_start3A_171 = arith.constant 0 : i32
        %dma_start3A_172 = tpu.memref_slice %arg16[%dma_start3A_170, %dma_start3A_171] : memref<10240x64xf32, #tpu.memory_space<vmem_shared>> -> memref<10240x64xf32, #tpu.memory_space<vmem_shared>>
        tpu.enqueue_indirect_dma source(%dma_start3A_172 : memref<10240x64xf32, #tpu.memory_space<vmem_shared>>) target(%arg9 : memref<192x64xf32, #tpu.memory_space<vmem>>) offsets(%dma_start3A_169 : memref<192xi32, #tpu.memory_space<vmem>>) semaphore(%arg11 : memref<!tpu.dma_semaphore, #tpu.memory_space<semaphore_mem>>)
      } else {
      }
    }
    %scan3A_48 = arith.constant 53 : i32
    %dma_wait3A_49 = arith.constant 1 : i32
    %dma_wait3A_50 = arith.constant 0 : i32
    %dma_wait3A_51 = tpu.memref_slice %arg8[%dma_wait3A_49, %dma_wait3A_50] : memref<2x192xi32, #tpu.memory_space<vmem>> -> memref<1x192xi32, #tpu.memory_space<vmem>>
    %dma_wait3A_52 = tpu.memref_squeeze %dma_wait3A_51 : memref<1x192xi32, #tpu.memory_space<vmem>> -> memref<192xi32, #tpu.memory_space<vmem>>
    %dma_wait3A_53 = arith.constant 0 : i32
    %dma_wait3A_54 = arith.constant 0 : i32
    %dma_wait3A_55 = tpu.memref_slice %arg15[%dma_wait3A_53, %dma_wait3A_54] : memref<10240x64xf32, #tpu.memory_space<vmem_shared>> -> memref<10240x64xf32, #tpu.memory_space<vmem_shared>>
    tpu.wait_indirect_dma semaphore(%arg14 : memref<!tpu.dma_semaphore, #tpu.memory_space<semaphore_mem>>) src(%arg10 : memref<192x64xf32, #tpu.memory_space<vmem>>) dst(%dma_wait3A_55 : memref<10240x64xf32, #tpu.memory_space<vmem_shared>>)
    %barrier3A_56 = arith.constant 0 : index
    tpu.barrier barrier_id(%barrier3A_56)
    "tpu.region"() ({
      %run_scoped3A = tpu.sem_alloc : memref<!tpu.dma_semaphore, #tpu.memory_space<semaphore_mem>>
      %dma_start3A_93 = arith.constant 0 : i32
      %dma_start3A_94 = tpu.memref_slice %arg16[%mul3A_0, %dma_start3A_93] : memref<10240x64xf32, #tpu.memory_space<vmem_shared>> -> memref<640x64xf32, #tpu.memory_space<vmem_shared>>
      tpu.enqueue_dma source(%arg4 : memref<640x64xf32, #tpu.memory_space<hbm>>) target(%dma_start3A_94 : memref<640x64xf32, #tpu.memory_space<vmem_shared>>) target_semaphore(%run_scoped3A : memref<!tpu.dma_semaphore, #tpu.memory_space<semaphore_mem>>)
      %dma_wait3A_95 = arith.constant 0 : i32
      %dma_wait3A_96 = tpu.memref_slice %arg16[%mul3A_0, %dma_wait3A_95] : memref<10240x64xf32, #tpu.memory_space<vmem_shared>> -> memref<640x64xf32, #tpu.memory_space<vmem_shared>>
      tpu.wait_dma2 semaphore(%run_scoped3A : memref<!tpu.dma_semaphore, #tpu.memory_space<semaphore_mem>>) src(%arg4 : memref<640x64xf32, #tpu.memory_space<hbm>>) dst(%dma_wait3A_96 : memref<640x64xf32, #tpu.memory_space<vmem_shared>>)
      tpu.yield
    }) : () -> ()
    %barrier3A_57 = arith.constant 0 : index
    tpu.barrier barrier_id(%barrier3A_57)
    %scan3A_58 = arith.constant 0 : i32
    %scan3A_59 = arith.constant 12 : i32
    %scan3A_60 = arith.addi %scan3A_58, %scan3A_59 : i32
    %scan3A_61 = arith.constant 1 : i32
    scf.for %scan3A_93 = %scan3A_58 to %scan3A_60 step %scan3A_61  : i32 {
      %mul3A_94 = arith.constant 1 : i32
      %mul3A_95 = arith.muli %scan3A_93, %mul3A_94 : i32
      %add3A = arith.constant 0 : i32
      %add3A_96 = arith.addi %add3A, %mul3A_95 : i32
      %mul3A_97 = arith.constant 16 : i32
      %mul3A_98 = arith.muli %mul3A_97, %add3A_96 : i32
      %get3A = arith.constant 0 : i32
      %get3A_99 = arith.index_cast %get3A : i32 to index
      %get3A_100 = arith.index_cast %mul3A_98 : i32 to index
      %get3A_101 = tpu.vector_load %arg6[%get3A_99, %get3A_100] {strides = array<i32>} : memref<106x192xi32, #tpu.memory_space<vmem>>, vector<1x16xi32>,
      %get3A_102 = vector.shape_cast %get3A_101 : vector<1x16xi32> to vector<16xi32>
      %and3A = arith.constant 16383 : i32
      %and3A_103 = vector.broadcast %and3A : i32 to vector<16xi32>
      %and3A_104 = arith.andi %get3A_102, %and3A_103 : vector<16xi32>
      %mul3A_105 = arith.constant 16 : i32
      %mul3A_106 = arith.muli %mul3A_105, %add3A_96 : i32
      %swap3A = arith.constant 0 : i32
      %swap3A_107 = arith.index_cast %swap3A : i32 to index
      %swap3A_108 = arith.index_cast %mul3A_106 : i32 to index
      %swap3A_109 = tpu.vector_load %arg7[%swap3A_107, %swap3A_108] {strides = array<i32>} : memref<2x192xi32, #tpu.memory_space<vmem>>, vector<1x16xi32>,
      %swap3A_110 = vector.shape_cast %swap3A_109 : vector<1x16xi32> to vector<16xi32>
      %swap3A_111 = vector.shape_cast %and3A_104 : vector<16xi32> to vector<1x16xi32>
      tpu.vector_store %arg7[%swap3A_107, %swap3A_108], %swap3A_111 {strides = array<i32>} : memref<2x192xi32, #tpu.memory_space<vmem>>, vector<1x16xi32>,
      %shift_right_logical3A = arith.constant 14 : i32
      %shift_right_logical3A_112 = vector.broadcast %shift_right_logical3A : i32 to vector<16xi32>
      %shift_right_logical3A_113 = arith.shrui %get3A_102, %shift_right_logical3A_112 : vector<16xi32>
      %mul3A_114 = arith.constant 16 : i32
      %mul3A_115 = arith.muli %mul3A_114, %add3A_96 : i32
      %swap3A_116 = arith.constant 0 : i32
      %swap3A_117 = arith.index_cast %swap3A_116 : i32 to index
      %swap3A_118 = arith.index_cast %mul3A_115 : i32 to index
      %swap3A_119 = tpu.vector_load %arg8[%swap3A_117, %swap3A_118] {strides = array<i32>} : memref<2x192xi32, #tpu.memory_space<vmem>>, vector<1x16xi32>,
      %swap3A_120 = vector.shape_cast %swap3A_119 : vector<1x16xi32> to vector<16xi32>
      %swap3A_121 = vector.shape_cast %shift_right_logical3A_113 : vector<16xi32> to vector<1x16xi32>
      tpu.vector_store %arg8[%swap3A_117, %swap3A_118], %swap3A_121 {strides = array<i32>} : memref<2x192xi32, #tpu.memory_space<vmem>>, vector<1x16xi32>,
    }
    %scan3A_62 = arith.constant 12 : i32
    %dma_start3A_63 = arith.constant 0 : i32
    %dma_start3A_64 = arith.constant 0 : i32
    %dma_start3A_65 = tpu.memref_slice %arg7[%dma_start3A_63, %dma_start3A_64] : memref<2x192xi32, #tpu.memory_space<vmem>> -> memref<1x192xi32, #tpu.memory_space<vmem>>
    %dma_start3A_66 = tpu.memref_squeeze %dma_start3A_65 : memref<1x192xi32, #tpu.memory_space<vmem>> -> memref<192xi32, #tpu.memory_space<vmem>>
    %dma_start3A_67 = arith.constant 0 : i32
    %dma_start3A_68 = arith.constant 0 : i32
    %dma_start3A_69 = tpu.memref_slice %arg15[%dma_start3A_67, %dma_start3A_68] : memref<10240x64xf32, #tpu.memory_space<vmem_shared>> -> memref<10240x64xf32, #tpu.memory_space<vmem_shared>>
    tpu.enqueue_indirect_dma source(%dma_start3A_69 : memref<10240x64xf32, #tpu.memory_space<vmem_shared>>) target(%arg9 : memref<192x64xf32, #tpu.memory_space<vmem>>) offsets(%dma_start3A_66 : memref<192xi32, #tpu.memory_space<vmem>>) semaphore(%arg11 : memref<!tpu.dma_semaphore, #tpu.memory_space<semaphore_mem>>)
    %scan3A_70 = arith.constant 0 : i32
    %scan3A_71 = arith.constant 53 : i32
    %scan3A_72 = arith.addi %scan3A_70, %scan3A_71 : i32
    %scan3A_73 = arith.constant 1 : i32
    scf.for %scan3A_93 = %scan3A_70 to %scan3A_72 step %scan3A_73  : i32 {
      %mul3A_94 = arith.constant 1 : i32
      %mul3A_95 = arith.muli %scan3A_93, %mul3A_94 : i32
      %add3A = arith.constant 0 : i32
      %add3A_96 = arith.addi %add3A, %mul3A_95 : i32
      %mul3A_97 = arith.constant 2 : i32
      %mul3A_98 = arith.muli %mul3A_97, %add3A_96 : i32
      %dma_wait3A_99 = arith.constant 0 : i32
      %dma_wait3A_100 = arith.constant 0 : i32
      %dma_wait3A_101 = tpu.memref_slice %arg7[%dma_wait3A_99, %dma_wait3A_100] : memref<2x192xi32, #tpu.memory_space<vmem>> -> memref<1x192xi32, #tpu.memory_space<vmem>>
      %dma_wait3A_102 = tpu.memref_squeeze %dma_wait3A_101 : memref<1x192xi32, #tpu.memory_space<vmem>> -> memref<192xi32, #tpu.memory_space<vmem>>
      %dma_wait3A_103 = arith.constant 0 : i32
      %dma_wait3A_104 = arith.constant 0 : i32
      %dma_wait3A_105 = tpu.memref_slice %arg15[%dma_wait3A_103, %dma_wait3A_104] : memref<10240x64xf32, #tpu.memory_space<vmem_shared>> -> memref<10240x64xf32, #tpu.memory_space<vmem_shared>>
      tpu.wait_indirect_dma semaphore(%arg11 : memref<!tpu.dma_semaphore, #tpu.memory_space<semaphore_mem>>) src(%dma_wait3A_105 : memref<10240x64xf32, #tpu.memory_space<vmem_shared>>) dst(%arg9 : memref<192x64xf32, #tpu.memory_space<vmem>>)
      %dma_start3A_106 = arith.constant 0 : i32
      %dma_start3A_107 = arith.constant 0 : i32
      %dma_start3A_108 = tpu.memref_slice %arg8[%dma_start3A_106, %dma_start3A_107] : memref<2x192xi32, #tpu.memory_space<vmem>> -> memref<1x192xi32, #tpu.memory_space<vmem>>
      %dma_start3A_109 = tpu.memref_squeeze %dma_start3A_108 : memref<1x192xi32, #tpu.memory_space<vmem>> -> memref<192xi32, #tpu.memory_space<vmem>>
      %dma_start3A_110 = arith.constant 0 : i32
      %dma_start3A_111 = arith.constant 0 : i32
      %dma_start3A_112 = tpu.memref_slice %arg16[%dma_start3A_110, %dma_start3A_111] : memref<10240x64xf32, #tpu.memory_space<vmem_shared>> -> memref<10240x64xf32, #tpu.memory_space<vmem_shared>>
      tpu.enqueue_indirect_dma source(%arg9 : memref<192x64xf32, #tpu.memory_space<vmem>>) target(%dma_start3A_112 : memref<10240x64xf32, #tpu.memory_space<vmem_shared>>) offsets(%dma_start3A_109 : memref<192xi32, #tpu.memory_space<vmem>>) semaphore(%arg13 : memref<!tpu.dma_semaphore, #tpu.memory_space<semaphore_mem>>) {add = true}
      %gt3A = arith.constant 0 : i32
      %gt3A_113 = arith.cmpi sgt, %add3A_96, %gt3A : i32
      %convert_element_type3A_114 = arith.extui %gt3A_113 : i1 to i32
      %cond3A_115 = arith.constant 0 : i32
      %cond3A_116 = arith.cmpi ne, %convert_element_type3A_114, %cond3A_115 : i32
      scf.if %cond3A_116 {
        %dma_wait3A_159 = arith.constant 1 : i32
        %dma_wait3A_160 = arith.constant 0 : i32
        %dma_wait3A_161 = tpu.memref_slice %arg8[%dma_wait3A_159, %dma_wait3A_160] : memref<2x192xi32, #tpu.memory_space<vmem>> -> memref<1x192xi32, #tpu.memory_space<vmem>>
        %dma_wait3A_162 = tpu.memref_squeeze %dma_wait3A_161 : memref<1x192xi32, #tpu.memory_space<vmem>> -> memref<192xi32, #tpu.memory_space<vmem>>
        %dma_wait3A_163 = arith.constant 0 : i32
        %dma_wait3A_164 = arith.constant 0 : i32
        %dma_wait3A_165 = tpu.memref_slice %arg16[%dma_wait3A_163, %dma_wait3A_164] : memref<10240x64xf32, #tpu.memory_space<vmem_shared>> -> memref<10240x64xf32, #tpu.memory_space<vmem_shared>>
        tpu.wait_indirect_dma semaphore(%arg14 : memref<!tpu.dma_semaphore, #tpu.memory_space<semaphore_mem>>) src(%arg10 : memref<192x64xf32, #tpu.memory_space<vmem>>) dst(%dma_wait3A_165 : memref<10240x64xf32, #tpu.memory_space<vmem_shared>>)
      } else {
      }
      %add3A_117 = arith.constant 1 : i32
      %add3A_118 = arith.addi %mul3A_98, %add3A_117 : i32
      %scan3A_119 = arith.constant 0 : i32
      %scan3A_120 = arith.constant 12 : i32
      %scan3A_121 = arith.addi %scan3A_119, %scan3A_120 : i32
      %scan3A_122 = arith.constant 1 : i32
      scf.for %scan3A_159 = %scan3A_119 to %scan3A_121 step %scan3A_122  : i32 {
        %mul3A_160 = arith.constant 1 : i32
        %mul3A_161 = arith.muli %scan3A_159, %mul3A_160 : i32
        %add3A_162 = arith.constant 0 : i32
        %add3A_163 = arith.addi %add3A_162, %mul3A_161 : i32
        %mul3A_164 = arith.constant 16 : i32
        %mul3A_165 = arith.muli %mul3A_164, %add3A_163 : i32
        %get3A = arith.index_cast %add3A_118 : i32 to index
        %get3A_166 = arith.index_cast %mul3A_165 : i32 to index
        %get3A_167 = tpu.vector_load %arg6[%get3A, %get3A_166] {strides = array<i32>} : memref<106x192xi32, #tpu.memory_space<vmem>>, vector<1x16xi32>,
        %get3A_168 = vector.shape_cast %get3A_167 : vector<1x16xi32> to vector<16xi32>
        %and3A = arith.constant 16383 : i32
        %and3A_169 = vector.broadcast %and3A : i32 to vector<16xi32>
        %and3A_170 = arith.andi %get3A_168, %and3A_169 : vector<16xi32>
        %mul3A_171 = arith.constant 16 : i32
        %mul3A_172 = arith.muli %mul3A_171, %add3A_163 : i32
        %swap3A = arith.constant 1 : i32
        %swap3A_173 = arith.index_cast %swap3A : i32 to index
        %swap3A_174 = arith.index_cast %mul3A_172 : i32 to index
        %swap3A_175 = tpu.vector_load %arg7[%swap3A_173, %swap3A_174] {strides = array<i32>} : memref<2x192xi32, #tpu.memory_space<vmem>>, vector<1x16xi32>,
        %swap3A_176 = vector.shape_cast %swap3A_175 : vector<1x16xi32> to vector<16xi32>
        %swap3A_177 = vector.shape_cast %and3A_170 : vector<16xi32> to vector<1x16xi32>
        tpu.vector_store %arg7[%swap3A_173, %swap3A_174], %swap3A_177 {strides = array<i32>} : memref<2x192xi32, #tpu.memory_space<vmem>>, vector<1x16xi32>,
        %shift_right_logical3A = arith.constant 14 : i32
        %shift_right_logical3A_178 = vector.broadcast %shift_right_logical3A : i32 to vector<16xi32>
        %shift_right_logical3A_179 = arith.shrui %get3A_168, %shift_right_logical3A_178 : vector<16xi32>
        %mul3A_180 = arith.constant 16 : i32
        %mul3A_181 = arith.muli %mul3A_180, %add3A_163 : i32
        %swap3A_182 = arith.constant 1 : i32
        %swap3A_183 = arith.index_cast %swap3A_182 : i32 to index
        %swap3A_184 = arith.index_cast %mul3A_181 : i32 to index
        %swap3A_185 = tpu.vector_load %arg8[%swap3A_183, %swap3A_184] {strides = array<i32>} : memref<2x192xi32, #tpu.memory_space<vmem>>, vector<1x16xi32>,
        %swap3A_186 = vector.shape_cast %swap3A_185 : vector<1x16xi32> to vector<16xi32>
        %swap3A_187 = vector.shape_cast %shift_right_logical3A_179 : vector<16xi32> to vector<1x16xi32>
        tpu.vector_store %arg8[%swap3A_183, %swap3A_184], %swap3A_187 {strides = array<i32>} : memref<2x192xi32, #tpu.memory_space<vmem>>, vector<1x16xi32>,
      }
      %scan3A_123 = arith.constant 12 : i32
      %dma_start3A_124 = arith.constant 1 : i32
      %dma_start3A_125 = arith.constant 0 : i32
      %dma_start3A_126 = tpu.memref_slice %arg7[%dma_start3A_124, %dma_start3A_125] : memref<2x192xi32, #tpu.memory_space<vmem>> -> memref<1x192xi32, #tpu.memory_space<vmem>>
      %dma_start3A_127 = tpu.memref_squeeze %dma_start3A_126 : memref<1x192xi32, #tpu.memory_space<vmem>> -> memref<192xi32, #tpu.memory_space<vmem>>
      %dma_start3A_128 = arith.constant 0 : i32
      %dma_start3A_129 = arith.constant 0 : i32
      %dma_start3A_130 = tpu.memref_slice %arg15[%dma_start3A_128, %dma_start3A_129] : memref<10240x64xf32, #tpu.memory_space<vmem_shared>> -> memref<10240x64xf32, #tpu.memory_space<vmem_shared>>
      tpu.enqueue_indirect_dma source(%dma_start3A_130 : memref<10240x64xf32, #tpu.memory_space<vmem_shared>>) target(%arg10 : memref<192x64xf32, #tpu.memory_space<vmem>>) offsets(%dma_start3A_127 : memref<192xi32, #tpu.memory_space<vmem>>) semaphore(%arg12 : memref<!tpu.dma_semaphore, #tpu.memory_space<semaphore_mem>>)
      %dma_wait3A_131 = arith.constant 1 : i32
      %dma_wait3A_132 = arith.constant 0 : i32
      %dma_wait3A_133 = tpu.memref_slice %arg7[%dma_wait3A_131, %dma_wait3A_132] : memref<2x192xi32, #tpu.memory_space<vmem>> -> memref<1x192xi32, #tpu.memory_space<vmem>>
      %dma_wait3A_134 = tpu.memref_squeeze %dma_wait3A_133 : memref<1x192xi32, #tpu.memory_space<vmem>> -> memref<192xi32, #tpu.memory_space<vmem>>
      %dma_wait3A_135 = arith.constant 0 : i32
      %dma_wait3A_136 = arith.constant 0 : i32
      %dma_wait3A_137 = tpu.memref_slice %arg15[%dma_wait3A_135, %dma_wait3A_136] : memref<10240x64xf32, #tpu.memory_space<vmem_shared>> -> memref<10240x64xf32, #tpu.memory_space<vmem_shared>>
      tpu.wait_indirect_dma semaphore(%arg12 : memref<!tpu.dma_semaphore, #tpu.memory_space<semaphore_mem>>) src(%dma_wait3A_137 : memref<10240x64xf32, #tpu.memory_space<vmem_shared>>) dst(%arg10 : memref<192x64xf32, #tpu.memory_space<vmem>>)
      %dma_start3A_138 = arith.constant 1 : i32
      %dma_start3A_139 = arith.constant 0 : i32
      %dma_start3A_140 = tpu.memref_slice %arg8[%dma_start3A_138, %dma_start3A_139] : memref<2x192xi32, #tpu.memory_space<vmem>> -> memref<1x192xi32, #tpu.memory_space<vmem>>
      %dma_start3A_141 = tpu.memref_squeeze %dma_start3A_140 : memref<1x192xi32, #tpu.memory_space<vmem>> -> memref<192xi32, #tpu.memory_space<vmem>>
      %dma_start3A_142 = arith.constant 0 : i32
      %dma_start3A_143 = arith.constant 0 : i32
      %dma_start3A_144 = tpu.memref_slice %arg16[%dma_start3A_142, %dma_start3A_143] : memref<10240x64xf32, #tpu.memory_space<vmem_shared>> -> memref<10240x64xf32, #tpu.memory_space<vmem_shared>>
      tpu.enqueue_indirect_dma source(%arg10 : memref<192x64xf32, #tpu.memory_space<vmem>>) target(%dma_start3A_144 : memref<10240x64xf32, #tpu.memory_space<vmem_shared>>) offsets(%dma_start3A_141 : memref<192xi32, #tpu.memory_space<vmem>>) semaphore(%arg14 : memref<!tpu.dma_semaphore, #tpu.memory_space<semaphore_mem>>) {add = true}
      %dma_wait3A_145 = arith.constant 0 : i32
      %dma_wait3A_146 = arith.constant 0 : i32
      %dma_wait3A_147 = tpu.memref_slice %arg8[%dma_wait3A_145, %dma_wait3A_146] : memref<2x192xi32, #tpu.memory_space<vmem>> -> memref<1x192xi32, #tpu.memory_space<vmem>>
      %dma_wait3A_148 = tpu.memref_squeeze %dma_wait3A_147 : memref<1x192xi32, #tpu.memory_space<vmem>> -> memref<192xi32, #tpu.memory_space<vmem>>
      %dma_wait3A_149 = arith.constant 0 : i32
      %dma_wait3A_150 = arith.constant 0 : i32
      %dma_wait3A_151 = tpu.memref_slice %arg16[%dma_wait3A_149, %dma_wait3A_150] : memref<10240x64xf32, #tpu.memory_space<vmem_shared>> -> memref<10240x64xf32, #tpu.memory_space<vmem_shared>>
      tpu.wait_indirect_dma semaphore(%arg13 : memref<!tpu.dma_semaphore, #tpu.memory_space<semaphore_mem>>) src(%arg9 : memref<192x64xf32, #tpu.memory_space<vmem>>) dst(%dma_wait3A_151 : memref<10240x64xf32, #tpu.memory_space<vmem_shared>>)
      %add3A_152 = arith.constant 2 : i32
      %add3A_153 = arith.addi %mul3A_98, %add3A_152 : i32
      %lt3A_154 = arith.constant 106 : i32
      %lt3A_155 = arith.cmpi slt, %add3A_153, %lt3A_154 : i32
      %convert_element_type3A_156 = arith.extui %lt3A_155 : i1 to i32
      %cond3A_157 = arith.constant 0 : i32
      %cond3A_158 = arith.cmpi ne, %convert_element_type3A_156, %cond3A_157 : i32
      scf.if %cond3A_158 {
        %add3A_159 = arith.constant 2 : i32
        %add3A_160 = arith.addi %mul3A_98, %add3A_159 : i32
        %scan3A_161 = arith.constant 0 : i32
        %scan3A_162 = arith.constant 12 : i32
        %scan3A_163 = arith.addi %scan3A_161, %scan3A_162 : i32
        %scan3A_164 = arith.constant 1 : i32
        scf.for %scan3A_173 = %scan3A_161 to %scan3A_163 step %scan3A_164  : i32 {
          %mul3A_174 = arith.constant 1 : i32
          %mul3A_175 = arith.muli %scan3A_173, %mul3A_174 : i32
          %add3A_176 = arith.constant 0 : i32
          %add3A_177 = arith.addi %add3A_176, %mul3A_175 : i32
          %mul3A_178 = arith.constant 16 : i32
          %mul3A_179 = arith.muli %mul3A_178, %add3A_177 : i32
          %get3A = arith.index_cast %add3A_160 : i32 to index
          %get3A_180 = arith.index_cast %mul3A_179 : i32 to index
          %get3A_181 = tpu.vector_load %arg6[%get3A, %get3A_180] {strides = array<i32>} : memref<106x192xi32, #tpu.memory_space<vmem>>, vector<1x16xi32>,
          %get3A_182 = vector.shape_cast %get3A_181 : vector<1x16xi32> to vector<16xi32>
          %and3A = arith.constant 16383 : i32
          %and3A_183 = vector.broadcast %and3A : i32 to vector<16xi32>
          %and3A_184 = arith.andi %get3A_182, %and3A_183 : vector<16xi32>
          %mul3A_185 = arith.constant 16 : i32
          %mul3A_186 = arith.muli %mul3A_185, %add3A_177 : i32
          %swap3A = arith.constant 0 : i32
          %swap3A_187 = arith.index_cast %swap3A : i32 to index
          %swap3A_188 = arith.index_cast %mul3A_186 : i32 to index
          %swap3A_189 = tpu.vector_load %arg7[%swap3A_187, %swap3A_188] {strides = array<i32>} : memref<2x192xi32, #tpu.memory_space<vmem>>, vector<1x16xi32>,
          %swap3A_190 = vector.shape_cast %swap3A_189 : vector<1x16xi32> to vector<16xi32>
          %swap3A_191 = vector.shape_cast %and3A_184 : vector<16xi32> to vector<1x16xi32>
          tpu.vector_store %arg7[%swap3A_187, %swap3A_188], %swap3A_191 {strides = array<i32>} : memref<2x192xi32, #tpu.memory_space<vmem>>, vector<1x16xi32>,
          %shift_right_logical3A = arith.constant 14 : i32
          %shift_right_logical3A_192 = vector.broadcast %shift_right_logical3A : i32 to vector<16xi32>
          %shift_right_logical3A_193 = arith.shrui %get3A_182, %shift_right_logical3A_192 : vector<16xi32>
          %mul3A_194 = arith.constant 16 : i32
          %mul3A_195 = arith.muli %mul3A_194, %add3A_177 : i32
          %swap3A_196 = arith.constant 0 : i32
          %swap3A_197 = arith.index_cast %swap3A_196 : i32 to index
          %swap3A_198 = arith.index_cast %mul3A_195 : i32 to index
          %swap3A_199 = tpu.vector_load %arg8[%swap3A_197, %swap3A_198] {strides = array<i32>} : memref<2x192xi32, #tpu.memory_space<vmem>>, vector<1x16xi32>,
          %swap3A_200 = vector.shape_cast %swap3A_199 : vector<1x16xi32> to vector<16xi32>
          %swap3A_201 = vector.shape_cast %shift_right_logical3A_193 : vector<16xi32> to vector<1x16xi32>
          tpu.vector_store %arg8[%swap3A_197, %swap3A_198], %swap3A_201 {strides = array<i32>} : memref<2x192xi32, #tpu.memory_space<vmem>>, vector<1x16xi32>,
        }
        %scan3A_165 = arith.constant 12 : i32
        %dma_start3A_166 = arith.constant 0 : i32
        %dma_start3A_167 = arith.constant 0 : i32
        %dma_start3A_168 = tpu.memref_slice %arg7[%dma_start3A_166, %dma_start3A_167] : memref<2x192xi32, #tpu.memory_space<vmem>> -> memref<1x192xi32, #tpu.memory_space<vmem>>
        %dma_start3A_169 = tpu.memref_squeeze %dma_start3A_168 : memref<1x192xi32, #tpu.memory_space<vmem>> -> memref<192xi32, #tpu.memory_space<vmem>>
        %dma_start3A_170 = arith.constant 0 : i32
        %dma_start3A_171 = arith.constant 0 : i32
        %dma_start3A_172 = tpu.memref_slice %arg15[%dma_start3A_170, %dma_start3A_171] : memref<10240x64xf32, #tpu.memory_space<vmem_shared>> -> memref<10240x64xf32, #tpu.memory_space<vmem_shared>>
        tpu.enqueue_indirect_dma source(%dma_start3A_172 : memref<10240x64xf32, #tpu.memory_space<vmem_shared>>) target(%arg9 : memref<192x64xf32, #tpu.memory_space<vmem>>) offsets(%dma_start3A_169 : memref<192xi32, #tpu.memory_space<vmem>>) semaphore(%arg11 : memref<!tpu.dma_semaphore, #tpu.memory_space<semaphore_mem>>)
      } else {
      }
    }
    %scan3A_74 = arith.constant 53 : i32
    %dma_wait3A_75 = arith.constant 1 : i32
    %dma_wait3A_76 = arith.constant 0 : i32
    %dma_wait3A_77 = tpu.memref_slice %arg8[%dma_wait3A_75, %dma_wait3A_76] : memref<2x192xi32, #tpu.memory_space<vmem>> -> memref<1x192xi32, #tpu.memory_space<vmem>>
    %dma_wait3A_78 = tpu.memref_squeeze %dma_wait3A_77 : memref<1x192xi32, #tpu.memory_space<vmem>> -> memref<192xi32, #tpu.memory_space<vmem>>
    %dma_wait3A_79 = arith.constant 0 : i32
    %dma_wait3A_80 = arith.constant 0 : i32
    %dma_wait3A_81 = tpu.memref_slice %arg16[%dma_wait3A_79, %dma_wait3A_80] : memref<10240x64xf32, #tpu.memory_space<vmem_shared>> -> memref<10240x64xf32, #tpu.memory_space<vmem_shared>>
    tpu.wait_indirect_dma semaphore(%arg14 : memref<!tpu.dma_semaphore, #tpu.memory_space<semaphore_mem>>) src(%arg10 : memref<192x64xf32, #tpu.memory_space<vmem>>) dst(%dma_wait3A_81 : memref<10240x64xf32, #tpu.memory_space<vmem_shared>>)
    %barrier3A_82 = arith.constant 0 : index
    tpu.barrier barrier_id(%barrier3A_82)
    %lt3A_83 = arith.constant 15 : i32
    %lt3A_84 = arith.cmpi slt, %arg1, %lt3A_83 : i32
    %convert_element_type3A_85 = arith.extui %lt3A_84 : i1 to i32
    %cond3A_86 = arith.constant 0 : i32
    %cond3A_87 = arith.cmpi ne, %convert_element_type3A_85, %cond3A_86 : i32
    scf.if %cond3A_87 {
      "tpu.region"() ({
        %run_scoped3A = tpu.sem_alloc : memref<!tpu.dma_semaphore, #tpu.memory_space<semaphore_mem>>
        %dma_start3A_93 = tpu.memref_slice %arg5[%mul3A_0, %mul3A_2] : memref<10000x128xf32, #tpu.memory_space<hbm>> -> memref<640x64xf32, #tpu.memory_space<hbm>>
        %dma_start3A_94 = arith.constant 0 : i32
        %dma_start3A_95 = tpu.memref_slice %arg16[%mul3A_0, %dma_start3A_94] : memref<10240x64xf32, #tpu.memory_space<vmem_shared>> -> memref<640x64xf32, #tpu.memory_space<vmem_shared>>
        tpu.enqueue_dma source(%dma_start3A_95 : memref<640x64xf32, #tpu.memory_space<vmem_shared>>) target(%dma_start3A_93 : memref<640x64xf32, #tpu.memory_space<hbm>>) target_semaphore(%run_scoped3A : memref<!tpu.dma_semaphore, #tpu.memory_space<semaphore_mem>>)
        %dma_wait3A_96 = tpu.memref_slice %arg5[%mul3A_0, %mul3A_2] : memref<10000x128xf32, #tpu.memory_space<hbm>> -> memref<640x64xf32, #tpu.memory_space<hbm>>
        %dma_wait3A_97 = arith.constant 0 : i32
        %dma_wait3A_98 = tpu.memref_slice %arg16[%mul3A_0, %dma_wait3A_97] : memref<10240x64xf32, #tpu.memory_space<vmem_shared>> -> memref<640x64xf32, #tpu.memory_space<vmem_shared>>
        tpu.wait_dma2 semaphore(%run_scoped3A : memref<!tpu.dma_semaphore, #tpu.memory_space<semaphore_mem>>) src(%dma_wait3A_98 : memref<640x64xf32, #tpu.memory_space<vmem_shared>>) dst(%dma_wait3A_96 : memref<640x64xf32, #tpu.memory_space<hbm>>)
        tpu.yield
      }) : () -> ()
    } else {
    }
    %eq3A_88 = arith.constant 15 : i32
    %eq3A_89 = arith.cmpi eq, %arg1, %eq3A_88 : i32
    %convert_element_type3A_90 = arith.extui %eq3A_89 : i1 to i32
    %cond3A_91 = arith.constant 0 : i32
    %cond3A_92 = arith.cmpi ne, %convert_element_type3A_90, %cond3A_91 : i32
    scf.if %cond3A_92 {
      "tpu.region"() ({
        %run_scoped3A = tpu.sem_alloc : memref<!tpu.dma_semaphore, #tpu.memory_space<semaphore_mem>>
        %dma_start3A_93 = tpu.memref_slice %arg5[%mul3A_0, %mul3A_2] : memref<10000x128xf32, #tpu.memory_space<hbm>> -> memref<400x64xf32, #tpu.memory_space<hbm>>
        %dma_start3A_94 = arith.constant 0 : i32
        %dma_start3A_95 = tpu.memref_slice %arg16[%mul3A_0, %dma_start3A_94] : memref<10240x64xf32, #tpu.memory_space<vmem_shared>> -> memref<400x64xf32, #tpu.memory_space<vmem_shared>>
        tpu.enqueue_dma source(%dma_start3A_95 : memref<400x64xf32, #tpu.memory_space<vmem_shared>>) target(%dma_start3A_93 : memref<400x64xf32, #tpu.memory_space<hbm>>) target_semaphore(%run_scoped3A : memref<!tpu.dma_semaphore, #tpu.memory_space<semaphore_mem>>)
        %dma_wait3A_96 = tpu.memref_slice %arg5[%mul3A_0, %mul3A_2] : memref<10000x128xf32, #tpu.memory_space<hbm>> -> memref<400x64xf32, #tpu.memory_space<hbm>>
        %dma_wait3A_97 = arith.constant 0 : i32
        %dma_wait3A_98 = tpu.memref_slice %arg16[%mul3A_0, %dma_wait3A_97] : memref<10240x64xf32, #tpu.memory_space<vmem_shared>> -> memref<400x64xf32, #tpu.memory_space<vmem_shared>>
        tpu.wait_dma2 semaphore(%run_scoped3A : memref<!tpu.dma_semaphore, #tpu.memory_space<semaphore_mem>>) src(%dma_wait3A_98 : memref<400x64xf32, #tpu.memory_space<vmem_shared>>) dst(%dma_wait3A_96 : memref<400x64xf32, #tpu.memory_space<hbm>>)
        tpu.yield
      }) : () -> ()
    } else {
    }
    return
  }
}

module attributes {stable_mosaic.version = 14 : i64} {
  func.func @body(%arg0: i32, %arg1: memref<1000x128xf32, #tpu.memory_space<vmem>>, %arg2: memref<128x128xf32, #tpu.memory_space<vmem>>, %arg3: memref<1x128xf32, #tpu.memory_space<vmem>>, %arg4: memref<1000x128xf32, #tpu.memory_space<vmem>>) attributes {dimension_semantics = [#tpu.dimension_semantics<arbitrary>], iteration_bounds = array<i64: 10>, scalar_prefetch = 0 : i64, scratch_operands = 0 : i64, tpu.core_type = #tpu.core_type<tc>, window_params = [{transform_indices = @transform_0, window_bounds = array<i64: 1000, 128>}, {pipeline_mode = #tpu.pipeline_mode<synchronous>, transform_indices = @transform_1, window_bounds = array<i64: 128, 128>}, {pipeline_mode = #tpu.pipeline_mode<synchronous>, transform_indices = @transform_2, window_bounds = array<i64: 1, 128>}, {transform_indices = @transform_3, window_bounds = array<i64: 1000, 128>}]} {
    %get3A = arith.constant 0 : index
    %get3A_0 = arith.constant 0 : index
    %get3A_1 = vector.load %arg1[%get3A, %get3A_0] : memref<1000x128xf32, #tpu.memory_space<vmem>>, vector<1000x128xf32>
    %get3A_2 = arith.constant 0 : index
    %get3A_3 = arith.constant 0 : index
    %get3A_4 = vector.load %arg2[%get3A_2, %get3A_3] : memref<128x128xf32, #tpu.memory_space<vmem>>, vector<128x128xf32>
    %dot_general3A = arith.constant dense<0.000000e+00> : vector<1000x128xf32>
    %dot_general3A_5 = tpu.matmul %get3A_1, %get3A_4, %dot_general3A {dimension_numbers = #tpu.dot_dimension_numbers<[1], [0], [0], [1], [0, 0, 1, 1], [], []>, transpose_lhs_hint = false} : vector<1000x128xf32>, vector<128x128xf32>, vector<1000x128xf32> -> vector<1000x128xf32>
    %get3A_6 = arith.constant 0 : index
    %get3A_7 = arith.constant 0 : index
    %get3A_8 = vector.load %arg3[%get3A_6, %get3A_7] : memref<1x128xf32, #tpu.memory_space<vmem>>, vector<1x128xf32>
    %add3A = vector.broadcast %get3A_8 : vector<1x128xf32> to vector<1000x128xf32>
    %add3A_9 = arith.addf %dot_general3A_5, %add3A : vector<1000x128xf32>
    %swap3A = arith.constant 0 : index
    %swap3A_10 = arith.constant 0 : index
    %swap3A_11 = vector.load %arg4[%swap3A, %swap3A_10] : memref<1000x128xf32, #tpu.memory_space<vmem>>, vector<1000x128xf32>
    tpu.vector_store %arg4[%swap3A, %swap3A_10], %add3A_9 {strides = array<i32>} : memref<1000x128xf32, #tpu.memory_space<vmem>>, vector<1000x128xf32>,
    return
  }
  func.func @transform_0(%arg0: i32) -> (i32, i32) {
    %c0_i32 = arith.constant 0 : i32
    %c0_i32_0 = arith.constant 0 : i32
    return %arg0, %c0_i32 : i32, i32
  }
  func.func @transform_1(%arg0: i32) -> (i32, i32) {
    %c0_i32 = arith.constant 0 : i32
    %c0_i32_0 = arith.constant 0 : i32
    %c0_i32_1 = arith.constant 0 : i32
    return %c0_i32, %c0_i32_0 : i32, i32
  }
  func.func @transform_2(%arg0: i32) -> (i32, i32) {
    %c0_i32 = arith.constant 0 : i32
    %c0_i32_0 = arith.constant 0 : i32
    %c0_i32_1 = arith.constant 0 : i32
    return %c0_i32, %c0_i32_0 : i32, i32
  }
  func.func @transform_3(%arg0: i32) -> (i32, i32) {
    %c0_i32 = arith.constant 0 : i32
    %c0_i32_0 = arith.constant 0 : i32
    return %arg0, %c0_i32 : i32, i32
  }
}

</mosaic_0001>

<sc_bundles>
// kernel: kernel.4.cloned.1.call-start
scs
__scs_entry_jumppad:
0x0: {  	(pc) =	sbr.rel $0x88, $3  }
0x1: {  	(tag) =	ssettag $0x0;
	lr =	simm.s32 $0x1  }
0x2: {  	[smem:$0x3F9D] =	sst lr;
	_ =	strace $0xD0000000  }
0x3: {  	_ = 	snop  }
0x4: {  	_ = 	snop  }
0x5: {  	_ = 	snop  }
0x6: {  	_ = 	snop  }
0x7: {  	_ = 	snop  }
__scs_overlays_trampoline_lowered:
0x8: {  	[smem:$0x3FAC] =	sst s0  }
0x9: {  	[smem:$0x3FAD] =	sst s1  }
0xa: {  	[smem:$0x3FAE] =	sst s2  }
0xb: {  	[smem:$0x3FAF] =	sst s3  }
0xc: {  	[smem:$0x3FB0] =	sst s4  }
0xd: {  	[smem:$0x3FB1] =	sst s5  }
0xe: {  	[smem:$0x3FB2] =	sst s6  }
0xf: {  	[smem:$0x3FB3] =	sst s7  }
0x10: {  	[smem:$0x3FB4] =	sst s8  }
0x11: {  	[smem:$0x3FB5] =	sst s9;
	s0 =	simm.s32 @!p0 $0x0  }
0x12: {  	s1 =	sld [smem:$0x3F9B];
	s0 =	simm.s32 @p0 $0x1  }
0x13: {  	[smem:$0x3FB6] =	sst s0;
	s0 =	simm.s32 @!p1 $0x0  }
0x14: {  	s2 =	sld [smem:$0x3F9A];
	s0 =	simm.s32 @p1 $0x1  }
0x15: {  	[smem:$0x3FB7] =	sst s0;
	s0 =	simm.s32 @!p2 $0x0  }
0x16: {  	s3 =	sld [smem:$0x3FDB];
	s0 =	simm.s32 @p2 $0x1  }
0x17: {  	s4 =	simm.s32 $0x1BF5;
	[smem:$0x3FB9] =	sst s0  }
0x18: {  	s0 =	sld [smem:$0x3F9C];
	_ =	swait.ge [sflag:s4], $0x0  }
0x19: {  	s7 =	sld [smem:$0x3F9D]  }
0x1a: {  	s8 =	sadd.s32 $0xFFFFE003, lr  }
0x1b: {  	s9 =	sadd.s32 $0xFFFFFEF7, lr;
	s5 =	simm.s32 $0xFFFFFFFF;
	p2 =	slt.u32 s8, $0xFFFFF086  }
0x1c: {  	p1 =	slt.u32 s9, $0xF7A;
	s5 =	simm.s32 @!p2 $0x0  }
0x1d: {  	s5 =	simm.s32 @p1 $0x1;
	p0 =	seq.s32 s7, s2  }
0x1e: {  	s7 =	smul.u32 @!p0 $0xF7A, s2;
	p2 =	seq.s32 @!p0 s5, $0x0  }
0x1f: {  	s9 =	smul.u32 $0xF7A, s1;
	s8 =	simm.s32 @!p0 $0x1BF5;
	p2 =	por !p2, p0  }
0x20: {  	[sflag:s8] =	ssyncset.s32 @!p0 $0xFFFFF086;
	s6 =	sadd.s32 @!p0 s3, s7;
	s7 =	simm.s32 @!p0 $0x108  }
0x21: {  	s3 =	sadd.s32 s3, s9;
	s6 =	sadd.s32 @!p0 $0x88, s6;
	s7 =	simm.s32 @p2 $0x1082  }
0x22: {  	[simem:s7], [sflag:s8] =	dma.local @!p0 [hbm:s6], $0xF7A  }
0x23: {  	s9 =	sor.u32 $0xD0000000, s2;
	s6 =	simm.s32 $0x108;
	_ =	swait.ge @!p0 [sflag:s8], $0x0  }
0x24: {  	s3 =	sadd.s32 $0x88, s3;
	s6 =	simm.s32 @!p1 $0x1082;
	[sflag:s4] =	ssyncset.s32 $0xFFFFF086  }
0x25: {  	[simem:s6], [sflag:s4] =	dma.local [hbm:s3], $0xF7A  }
0x26: {  	[smem:$0x3F9D] =	sst s1;
	(tag) =	ssettag s2;
	_ =	strace s9  }
0x27: {  	s1 =	sld [smem:$0x3FAD]  }
0x28: {  	s2 =	sld [smem:$0x3FAE]  }
0x29: {  	s4 =	sld [smem:$0x3FB0]  }
0x2a: {  	p0 =	seq.s32 s5, $0x0;
	s5 =	sld [smem:$0x3FB1]  }
0x2b: {  	s6 =	sld [smem:$0x3FB2]  }
0x2c: {  	s7 =	sld [smem:$0x3FB3]  }
0x2d: {  	s3 =	simm.s32 $0x108;
	s8 =	sld [smem:$0x3FB4]  }
0x2e: {  	s3 =	simm.s32 @!p0 $0x1082;
	s9 =	sld [smem:$0x3FB5]  }
0x2f: {  	lr =	sadd.s32 s0, s3;
	s0 =	sld [smem:$0x3FAC]  }
0x30: {  	s3 =	sld [smem:$0x3FAF]  }
0x31: {  	[smem:$0x3FB8] =	sst s10  }
0x32: {  	s10 =	sld [smem:$0x3FB6];
	_ =	sdelay $0x3  }
0x33: {  	p0 =	seq.s32 s10, $0x1;
	s10 =	sld [smem:$0x3FB8];
	_ =	sdelay $0x3  }
0x34: {  	[smem:$0x3FB8] =	sst s10  }
0x35: {  	s10 =	sld [smem:$0x3FB7];
	_ =	sdelay $0x3  }
0x36: {  	p1 =	seq.s32 s10, $0x1;
	s10 =	sld [smem:$0x3FB8];
	_ =	sdelay $0x3  }
0x37: {  	[smem:$0x3FB8] =	sst s10  }
0x38: {  	s10 =	sld [smem:$0x3FB9]  }
0x39: {  	_ = 	snop;
	(pc) =	sbr.ind lr, $3  }
0x3a: {  	_ = 	snop  }
0x3b: {  	_ = 	snop  }
0x3c: {  	p2 =	seq.s32 s10, $0x1;
	s10 =	sld [smem:$0x3FB8]  }
0x3d: {  	_ =	shalt  }
0x3e: {  	_ =	shalt  }
0x3f: {  	_ =	shalt  }
0x40: {  	_ =	shalt  }
0x41: {  	_ =	shalt  }
0x42: {  	_ =	shalt  }
0x43: {  	_ =	shalt  }
0x44: {  	_ =	shalt  }
0x45: {  	_ =	shalt  }
0x46: {  	_ =	shalt  }
0x47: {  	_ =	shalt  }
0x48: {  	_ =	shalt  }
0x49: {  	_ =	shalt  }
0x4a: {  	_ =	shalt  }
0x4b: {  	_ =	shalt  }
0x4c: {  	_ =	shalt  }
0x4d: {  	_ =	shalt  }
0x4e: {  	_ =	shalt  }
0x4f: {  	_ =	shalt  }
0x50: {  	_ =	shalt  }
0x51: {  	_ =	shalt  }
0x52: {  	_ =	shalt  }
0x53: {  	_ =	shalt  }
0x54: {  	_ =	shalt  }
0x55: {  	_ =	shalt  }
0x56: {  	_ =	shalt  }
0x57: {  	_ =	shalt  }
0x58: {  	_ =	shalt  }
0x59: {  	_ =	shalt  }
0x5a: {  	_ =	shalt  }
0x5b: {  	_ =	shalt  }
0x5c: {  	_ =	shalt  }
0x5d: {  	_ =	shalt  }
0x5e: {  	_ =	shalt  }
0x5f: {  	_ =	shalt  }
0x60: {  	_ =	shalt  }
0x61: {  	_ =	shalt  }
0x62: {  	_ =	shalt  }
0x63: {  	_ =	shalt  }
0x64: {  	_ =	shalt  }
0x65: {  	_ =	shalt  }
0x66: {  	_ =	shalt  }
0x67: {  	_ =	shalt  }
0x68: {  	_ =	shalt  }
0x69: {  	_ =	shalt  }
0x6a: {  	_ =	shalt  }
0x6b: {  	_ =	shalt  }
0x6c: {  	_ =	shalt  }
0x6d: {  	_ =	shalt  }
0x6e: {  	_ =	shalt  }
0x6f: {  	_ =	shalt  }
0x70: {  	_ =	shalt  }
0x71: {  	_ =	shalt  }
0x72: {  	_ =	shalt  }
0x73: {  	_ =	shalt  }
0x74: {  	_ =	shalt  }
0x75: {  	_ =	shalt  }
0x76: {  	_ =	shalt  }
0x77: {  	_ =	shalt  }
0x78: {  	_ =	shalt  }
0x79: {  	_ =	shalt  }
0x7a: {  	_ =	shalt  }
0x7b: {  	_ =	shalt  }
0x7c: {  	_ =	shalt  }
0x7d: {  	_ =	shalt  }
0x7e: {  	_ =	shalt  }
0x7f: {  	_ =	shalt  }
0x80: {  	_ =	shalt  }
0x81: {  	_ =	shalt  }
0x82: {  	_ =	shalt  }
0x83: {  	_ =	shalt  }
0x84: {  	_ =	shalt  }
0x85: {  	_ =	shalt  }
0x86: {  	_ =	shalt  }
0x87: {  	_ =	shalt  }
.Lfunc_end0:
.L_simem_size_0:
called_computation_lowered:
.L_overlay_start_0:
0x88: {  	s2 =	sld [smem:$0x3FD9]  }
0x89: {  	s3 =	sld [smem:$0x3FFE];
	_ =	sdelay $0x1  }
0x8a: {  	s1 =	srdreg.scid  }
0x8b: {  	s0 =	sand.u32 $0x1, s1  }
0x8c: {  	s17 =	sshll.u32 s0, $0xA;
	s2 =	sadd.s32 s3, s2  }
0x8d: {  	s2 =	sadd.s32 s2, s17  }
0x8e: {  	[smem:$0x3FC4] =	sst s2  }
0x8f: {  	_ = 	snop  }
0x90: {  	s2 =	sld [smem:$0x3FD0];
	(tm) =	ssettm $0x1  }
0x91: {  	s18 =	sld [smem:$0x3FFB];
	_ =	sdelay $0x3  }
0x92: {  	_ =	strace s18  }
0x93: {  	s3 =	sld [smem:$0x3FFC];
	_ =	sdelay $0x3  }
0x94: {  	_ =	strace s3  }
0x95: {  	s3 =	sld [smem:$0x3FFD];
	_ =	sdelay $0x3  }
0x96: {  	_ =	strace s3  }
0x97: {  	_ =	strace $0x8FFFFFFF  }
0x98: {  	s19 =	sld [smem:$0x3FDB];
	_ =	sdelay $0x1  }
0x99: {  	s4 =	simm.s32 $_scs_section_size  }
0x9a: {  	s5 =	simm.s32 $_size__tile_overlayer_lowered;
	s6 =	simm.s32 $_tile_overlayer_lowered  }
0x9b: {  	s22 =	simm.s32 $0x1BFF;
	s21 =	sshll.u32 s6, $0x1;
	s3 =	sadd.s32 s4, s19  }
0x9c: {  	s7 =	simm.s32 $0x0;
	s20 =	sshll.u32 s5, $0x1;
	s5 =	sadd.s32 s21, s3  }
0x9d: {  	[timem:s7], [sflag:s22] =	dma.local [hbm:s5], s20  }
0x9e: {  	_ =	swait.ge [sflag:s22], s20  }
0x9f: {  	s4 =	ssub.s32 $0x0, s20;
	[sflag:s22] =	ssyncset.done $0x0  }
0xa0: {  	[sflag:s22] =	ssyncadd.s32 s4;
	_ =	sdelay $0x1  }
0xa1: {  	s23 =	simm.s32 $0x1B8B  }
0xa2: {  	_ =	swait.ge [sflag:s23], $0x1  }
0xa3: {  	[sflag:s23] =	ssyncset.done $0x0  }
0xa4: {  	s25 =	simm.s32 $0x1B8E;
	s24 =	sld [smem:$0x3FFE];
	[sflag:s23] =	ssyncadd.s32 $0xFFFFFFFF  }
0xa5: {  	s26 =	simm.s32 $execute0_lowered;
	[smem:$0x3FD2] =	sst s25  }
0xa6: {  	s5 =	sshll.u32 s26, $0x1;
	_ =	strace $0x80000046;
	[dreg:$0x1] =	wrdreg $0xFFFFFFFF  }
0xa7: {  	s28 =	simm.s32 $_size_execute0_lowered;
	s3 =	sadd.s32 s3, s5;
	[dreg:$0x0] =	wrdreg $0x0  }
0xa8: {  	s5 =	sshll.u32 s28, $0x1;
	[dreg:$0x2] =	wrdreg s3  }
0xa9: {  	[dreg:$0x3] =	wrdreg s5  }
0xaa: {  	[dreg:$0x4] =	wrdreg $0xC0  }
0xab: {  	_ =	task [dreg:s7], $0x5FFFF  }
0xac: {  	[dreg:$0x1] =	wrdreg $0xFFFFFFFF  }
0xad: {  	[dreg:$0x0] =	wrdreg $0x60  }
0xae: {  	[dreg:$0x2] =	wrdreg s24  }
0xaf: {  	[dreg:$0x3] =	wrdreg s2  }
0xb0: {  	[dreg:$0x4] =	wrdreg $0xB2800  }
0xb1: {  	[dreg:$0x5] =	wrdreg $0x152800  }
0xb2: {  	[dreg:$0x6] =	wrdreg $0x9  }
0xb3: {  	_ =	task.clear_ibuf [dreg:s7], $0x7FFFF;
	_ =	strace $0x90000046  }
0xb4: {  	s29 =	simm.s32 $0x9;
	_ =	strace $0x80000048  }
0xb5: {  	_ =	swait.ge [sflag:s29], $0x1  }
0xb6: {  	[sflag:s29] =	ssyncadd.s32 $0xFFFFFFFF  }
0xb7: {  	_ =	strace $0x90000048  }
0xb8: {  	_ =	sfence  }
0xb9: {  	s30 =	sld [smem:$0x0];
	_ =	sdelay $0x2  }
0xba: {  	s31 =	sshll.u32 s1, $0xD;
	s1 =	sshrl.u32 s1, $0x2  }
0xbb: {  	s3 =	sand.u32 $0x4000, s31;
	s1 =	sadd.s32 s1, s30  }
0xbc: {  	s0 =	sor.u32 s3, s0;
	s1 =	sshll.u32 s1, $0x11  }
0xbd: {  	s0 =	sor.u32 s1, s0  }
0xbe: {  	s0 =	sadd.s32 $0x8F2B, s0  }
0xbf: {  	[sflag:s0] =	ssyncadd.remote.s32 $0x1  }
0xc0: {  	_ =	sfence.sel $0xFFFF  }
0xc1: {  	[dreg:$0x0] =	wrdreg $0xFFFFFFFF;
	(pc) =	sbr.abs _section_cstart, $3  }
0xc2: {  	[dreg:$0x1] =	wrdreg $0xFFFFFFFF  }
0xc3: {  	_ =	task.clear_ibuf [dreg:s7], $0x2FFFF;
	_ =	strace $0x9FFFFFFF  }
0xc4: {  	(tm) =	ssettm $0x7FFFFFFF  }
0xc5: {  	_ =	shalt  }
tec
execute0_lowered:
.L_overlay_start_1:
0x0: {  	(tag) =	ssettag $0x1  }
0x1: {  	s0 =	rddreg [dreg:$0x0]  }
0x2: {  	s2 =	rddreg [dreg:$0x1]  }
0x3: {  	s1 =	rddreg [dreg:$0x2]  }
0x4: {  	s3 =	rddreg [dreg:$0x3];
	s4 =	simm.s32 $0x0  }
0x5: {  	s17 =	stileid.u32;
	s19 =	srdreg.scid;
	s13 =	simm.s32 $0x5  }
0x6: {  	s28 =	simm.s32 $0x2;
	s29 =	simm.s32 $0x51C0;
	s5 =	smul.u32 $0x9F0, s17  }
0x7: {  	s30 =	simm.s32 $0x3;
	s31 =	simm.s32 $0x4;
	s7 =	smul.u32 $0x14000, s17  }
0x8: {  	[smem:$0x7FF] =	sst s4;
	s4 =	sand.u32 $0x1, s19;
	s11 =	smul.u32 $0x28000, s17  }
0x9: {  	s8 =	sadd.s32 $0xA400, s0;
	s24 =	smul.u32 $0xA000, s17;
	s14 =	sadd.s32 $0x96000, s1  }
0xa: {  	p0 =	seq.s32 s17, $0xF;
	s26 =	sshll.u32 s17, $0x6;
	s19 =	simm.s32 $0xC0  }
0xb: {  	_ =	strace $0x80000047;
	s6 =	ssub.s32 $0x2, s4;
	s21 =	sshll.u32 s4, $0x6  }
0xc: {  	s4 =	sshll.u32 s4, $0x3;
	s14 =	sshrl.u32 @p0 s14, $0x3;
	s9 =	sadd.s32 s5, s0  }
0xd: {  	s10 =	sshrl.u32 s6, $0x1;
	s5 =	sadd.s32 $0x31600, s0;
	s7 =	sor.u32 s21, s7  }
0xe: {  	s23 =	sshrl.u32 s11, $0x2;
	s0 =	sshll.u32 @!p0 s17, $0x6;
	s17 =	sor.u32 $0x1C05, s26  }
0xf: {  	s21 =	simm.s32 $0x5280;
	s26 =	simm.s32 $0x8280;
	s20 =	ssub.s32 s6, s10  }
0x10: {  	s22 =	sadd.s32 $0x400, s9;
	s10 =	sshrl.u32 s7, $0x3;
	s16 =	sadd.s32 s23, s1  }
0x11: {  	s9 =	sadd.s32 s24, s3;
	s15 =	sor.u32 @!p0 $0x1C05, s0;
	s23 =	simm.s32 $0x5100  }
0x12: {  	s0 =	simm.s32 $0x0;
	[dreg:$0x5] =	wrdreg s22;
	s25 =	sadd.s32 s8, s10  }
.Ltmp0:
0x13: {  	s8 =	sadd.s32 s4, s8;
	s10 =	sadd.s32 s2, s10;
	(pc) =	sbr.rel .LBB2_1-.Ltmp0, $4  }
0x14: {  	s2 =	sadd.s32 s4, s2;
	s12 =	smax.u32 s20, $0x1;
	s16 =	sshrl.u32 @!p0 s16, $0x3  }
0x15: {  	s18 =	sshrl.u32 s9, $0x3;
	s20 =	simm.s32 $0x4F80;
	s22 =	simm.s32 $0x1  }
0x16: {  	[dreg:$0x6] =	wrdreg s25;
	s8 =	sadd.s32 $0x25800, s8;
	s25 =	sadd.s32 s24, s1  }
0x17: {  	s11 =	sadd.s32 $0x25800, s2;
	s24 =	simm.s32 $0x5040;
	s25 =	sshrl.u32 s25, $0x3  }
.LBB2_10:
0x18: {  	_ =	swait.ge [sflag:s31], $0x3000  }
0x19: {  	[sflag:s31] =	ssyncset.done $0x0  }
0x1a: {  	s2 =	sshrl.u32 @p0 s9, $0x3;
	s4 =	simm.s32 @p0 $0x1;
	[sflag:s31] =	ssyncadd.s32 $0xFFFFD000  }
0x1b: {  	s6 =	simm.s32 @p0 $0x10;
	s7 =	simm.s32 @p0 $0x8;
	[bflag:$0x0] =	sbarrier.arrive $0xFFFF  }
0x1c: {  	[hbm:s11@s6], [sflag:s17] =	dma.strided @p0 [spmem:s2@s7], $0xC80, s4, $0x8   }
0x1d: {  	s0 =	sadd.s32 $0x1, s0;
	s2 =	simm.s32 @p0 $0x5  }
0x1e: {  	p1 =	sne.s32 s0, s12;
	_ =	swait.ge @p0 [sflag:s2], $0xC80  }
0x1f: {  	s4 =	simm.s32 @!p0 $0x1;
	s6 =	simm.s32 @!p0 $0x10;
	[sflag:s2] =	ssyncset.done @p0 $0x0  }
0x20: {  	s7 =	simm.s32 @!p0 $0x8;
	[sflag:s2] =	ssyncadd.s32 @p0 $0xFFFFF380;
	s2 =	sshrl.u32 @!p0 s9, $0x3  }
0x21: {  	[hbm:s10@s6], [sflag:s17] =	dma.strided @!p0 [spmem:s2@s7], $0x1400, s4, $0x8   }
.Ltmp1:
0x22: {  	_ = 	snop;
	(pc) =	sbr.rel @!p1 .LBB2_11-.Ltmp1, $4  }
0x23: {  	s2 =	simm.s32 @!p0 $0x5  }
0x24: {  	_ =	swait.ge @!p0 [sflag:s2], $0x1400  }
0x25: {  	[sflag:s2] =	ssyncset.done @!p0 $0x0  }
0x26: {  	[sflag:s2] =	ssyncadd.s32 @!p0 $0xFFFFEC00  }
.LBB2_1:
0x27: {  	s2 =	simm.s32 $0x0;
	s4 =	rddreg [dreg:$0x5]  }
0x28: {  	[tilespmem:s2], [sflag:$0x5] =	stream.linear.gather [hbm4b:s4+s2], $0x4F80, $0x38;
	[tilespmem:$0x1F280] =	vst v63  }
0x29: {  	_ =	swait.ge [sflag:s13], $0x4F80  }
0x2a: {  	s6 =	simm.s32 @p0 $0x10;
	s7 =	simm.s32 @p0 $0x1FC5;
	[sflag:s13] =	ssyncset.done $0x0  }
0x2b: {  	s2 =	simm.s32 @p0 $0x1;
	s4 =	simm.s32 @p0 $0x8;
	[sflag:s13] =	ssyncadd.s32 $0xFFFFB080  }
0x2c: {  	[spmem:s14@s4], [sflag:s7] =	dma.strided @p0 [hbm:s8@s6], $0xC80, s2, $0x8   }
0x2d: {  	s2 =	simm.s32 @p0 $0x5  }
0x2e: {  	_ =	swait.ge @p0 [sflag:s2], $0xC80  }
0x2f: {  	s4 =	simm.s32 @!p0 $0x8;
	s6 =	simm.s32 @!p0 $0x10;
	[sflag:s2] =	ssyncset.done @p0 $0x0  }
0x30: {  	s7 =	rddreg [dreg:$0x6];
	[sflag:s2] =	ssyncadd.s32 @p0 $0xFFFFF380;
	s2 =	simm.s32 @!p0 $0x1  }
0x31: {  	[spmem:s16@s4], [sflag:s15] =	dma.strided @!p0 [hbm:s7@s6], $0x1400, s2, $0x8   }
0x32: {  	s2 =	simm.s32 @!p0 $0x5  }
0x33: {  	_ =	swait.ge @!p0 [sflag:s2], $0x1400  }
0x34: {  	[sflag:s2] =	ssyncset.done @!p0 $0x0  }
0x35: {  	[sflag:s2] =	ssyncadd.s32 @!p0 $0xFFFFEC00  }
0x36: {  	[spmem:s18], [sflag:s17] =	dma.local [hbm:s5], $0x1400  }
0x37: {  	_ =	swait.ge [sflag:s13], $0x1400  }
0x38: {  	[sflag:s13] =	ssyncset.done $0x0  }
0x39: {  	[sflag:s13] =	ssyncadd.s32 $0xFFFFEC00  }
0x3a: {  	[bflag:$0x0] =	sbarrier.arrive $0xFFFF  }
0x3b: {  	v0 =	vld [tilespmem:$0x0];
	_ =	sdelay $0x1  }
0x3c: {  	v1 =	vld [tilespmem:$0x10];
	_ =	sdelay $0x1  }
0x3d: {  	v2 =	vld [tilespmem:$0x20]  }
0x3e: {  	v3 =	vand.u32 $0x3FFF, v0  }
0x3f: {  	v33 =	vld [tilespmem:$0x30];
	v0 =	vshrl.u32 v0, $0xE;
	[tilespmem:$0x4F80] =	vst v3  }
0x40: {  	v34 =	vand.u32 $0x3FFF, v1;
	[tilespmem:$0x5100] =	vst v0  }
0x41: {  	v36 =	vld [tilespmem:$0x40];
	v35 =	vshrl.u32 v1, $0xE;
	[tilespmem:$0x4F90] =	vst v34  }
0x42: {  	v37 =	vand.u32 $0x3FFF, v2;
	[tilespmem:$0x5110] =	vst v35  }
0x43: {  	v39 =	vld [tilespmem:$0x50];
	v38 =	vshrl.u32 v2, $0xE;
	[tilespmem:$0x4FA0] =	vst v37  }
0x44: {  	v40 =	vand.u32 $0x3FFF, v33;
	[tilespmem:$0x5120] =	vst v38  }
0x45: {  	v42 =	vld [tilespmem:$0x60];
	v41 =	vshrl.u32 v33, $0xE;
	[tilespmem:$0x4FB0] =	vst v40  }
0x46: {  	v43 =	vand.u32 $0x3FFF, v36;
	[tilespmem:$0x5130] =	vst v41  }
0x47: {  	v45 =	vld [tilespmem:$0x70];
	v44 =	vshrl.u32 v36, $0xE;
	[tilespmem:$0x4FC0] =	vst v43  }
0x48: {  	v46 =	vand.u32 $0x3FFF, v39;
	[tilespmem:$0x5140] =	vst v44  }
0x49: {  	v48 =	vld [tilespmem:$0x80];
	v47 =	vshrl.u32 v39, $0xE;
	[tilespmem:$0x4FD0] =	vst v46  }
0x4a: {  	v49 =	vand.u32 $0x3FFF, v42;
	[tilespmem:$0x5150] =	vst v47  }
0x4b: {  	v51 =	vld [tilespmem:$0x90];
	v50 =	vshrl.u32 v42, $0xE;
	[tilespmem:$0x4FE0] =	vst v49  }
0x4c: {  	v52 =	vand.u32 $0x3FFF, v45;
	[tilespmem:$0x5160] =	vst v50  }
0x4d: {  	v54 =	vld [tilespmem:$0xA0];
	v53 =	vshrl.u32 v45, $0xE;
	[tilespmem:$0x4FF0] =	vst v52  }
0x4e: {  	v55 =	vand.u32 $0x3FFF, v48;
	[tilespmem:$0x5170] =	vst v53  }
0x4f: {  	v57 =	vld [tilespmem:$0xB0];
	v56 =	vshrl.u32 v48, $0xE;
	[tilespmem:$0x5000] =	vst v55  }
0x50: {  	v58 =	vand.u32 $0x3FFF, v51;
	[tilespmem:$0x5180] =	vst v56  }
0x51: {  	v59 =	vshrl.u32 v51, $0xE;
	[tilespmem:$0x5010] =	vst v58  }
0x52: {  	v60 =	vand.u32 $0x3FFF, v54;
	[tilespmem:$0x5190] =	vst v59  }
0x53: {  	v61 =	vshrl.u32 v54, $0xE;
	[tilespmem:$0x5020] =	vst v60  }
0x54: {  	v62 =	vand.u32 $0x3FFF, v57;
	[tilespmem:$0x51A0] =	vst v61  }
0x55: {  	v63 =	vshrl.u32 v57, $0xE;
	[tilespmem:$0x5030] =	vst v62  }
0x56: {  	s2 =	simm.s32 $0x0;
	[tilespmem:$0x51B0] =	vst v63  }
0x57: {  	[tilespmem:s21], [sflag:$0x1] =	stream.indirect.gather [spmem:s1], $0x40, s20, s19, $0xb8;
	[tilespmem:$0x1F280] =	vst v63  }
.LBB2_2:
0x58: {  	_ =	swait.ge [sflag:s22], $0x3000  }
0x59: {  	p1 =	seq.s32 s2, $0x0;
	[sflag:s22] =	ssyncset.done $0x0  }
0x5a: {  	s4 =	simm.s32 @!p1 $0x4;
	[sflag:s22] =	ssyncadd.s32 $0xFFFFD000  }
0x5b: {  	[spmem:s3] =	stream.indirect.scatter.add.f32 [tilespmem:s21], [sflag:$0x3], $0x40, s23, s19, $0xb8;
	[tilespmem:$0x1F280] =	vst v63  }
0x5c: {  	_ =	swait.ge @!p1 [sflag:s4], $0x3000  }
0x5d: {  	[sflag:s4] =	ssyncset.done @!p1 $0x0  }
0x5e: {  	[sflag:s4] =	ssyncadd.s32 @!p1 $0xFFFFD000;
	s4 =	sshra.s32 s2, $0x2  }
0x5f: {  	v0 =	vld [tilespmem:s4+$0xC0];
	_ =	sdelay $0x4  }
0x60: {  	v1 =	vand.u32 $0x3FFF, v0  }
0x61: {  	v0 =	vshrl.u32 v0, $0xE;
	[tilespmem:$0x5040] =	vst v1  }
0x62: {  	[tilespmem:$0x51C0] =	vst v0  }
0x63: {  	v0 =	vld [tilespmem:s4+$0xD0];
	_ =	sdelay $0x4  }
0x64: {  	v53 =	vand.u32 $0x3FFF, v0  }
0x65: {  	v0 =	vshrl.u32 v0, $0xE;
	[tilespmem:$0x5050] =	vst v53  }
0x66: {  	[tilespmem:$0x51D0] =	vst v0  }
0x67: {  	v0 =	vld [tilespmem:s4+$0xE0];
	_ =	sdelay $0x4  }
0x68: {  	v54 =	vand.u32 $0x3FFF, v0  }
0x69: {  	v0 =	vshrl.u32 v0, $0xE;
	[tilespmem:$0x5060] =	vst v54  }
0x6a: {  	[tilespmem:$0x51E0] =	vst v0  }
0x6b: {  	v0 =	vld [tilespmem:s4+$0xF0];
	_ =	sdelay $0x4  }
0x6c: {  	v55 =	vand.u32 $0x3FFF, v0  }
0x6d: {  	v0 =	vshrl.u32 v0, $0xE;
	[tilespmem:$0x5070] =	vst v55  }
0x6e: {  	[tilespmem:$0x51F0] =	vst v0  }
0x6f: {  	v0 =	vld [tilespmem:s4+$0x100];
	_ =	sdelay $0x4  }
0x70: {  	v56 =	vand.u32 $0x3FFF, v0  }
0x71: {  	v0 =	vshrl.u32 v0, $0xE;
	[tilespmem:$0x5080] =	vst v56  }
0x72: {  	[tilespmem:$0x5200] =	vst v0  }
0x73: {  	v0 =	vld [tilespmem:s4+$0x110];
	_ =	sdelay $0x4  }
0x74: {  	v57 =	vand.u32 $0x3FFF, v0  }
0x75: {  	v0 =	vshrl.u32 v0, $0xE;
	[tilespmem:$0x5090] =	vst v57  }
0x76: {  	[tilespmem:$0x5210] =	vst v0  }
0x77: {  	v0 =	vld [tilespmem:s4+$0x120];
	_ =	sdelay $0x4  }
0x78: {  	v58 =	vand.u32 $0x3FFF, v0  }
0x79: {  	v0 =	vshrl.u32 v0, $0xE;
	[tilespmem:$0x50A0] =	vst v58  }
0x7a: {  	[tilespmem:$0x5220] =	vst v0  }
0x7b: {  	v0 =	vld [tilespmem:s4+$0x130];
	_ =	sdelay $0x4  }
0x7c: {  	v59 =	vand.u32 $0x3FFF, v0  }
0x7d: {  	v0 =	vshrl.u32 v0, $0xE;
	[tilespmem:$0x50B0] =	vst v59  }
0x7e: {  	[tilespmem:$0x5230] =	vst v0  }
0x7f: {  	v0 =	vld [tilespmem:s4+$0x140];
	_ =	sdelay $0x4  }
0x80: {  	v60 =	vand.u32 $0x3FFF, v0  }
0x81: {  	v0 =	vshrl.u32 v0, $0xE;
	[tilespmem:$0x50C0] =	vst v60  }
0x82: {  	[tilespmem:$0x5240] =	vst v0  }
0x83: {  	v0 =	vld [tilespmem:s4+$0x150];
	_ =	sdelay $0x4  }
0x84: {  	v61 =	vand.u32 $0x3FFF, v0  }
0x85: {  	v0 =	vshrl.u32 v0, $0xE;
	[tilespmem:$0x50D0] =	vst v61  }
0x86: {  	[tilespmem:$0x5250] =	vst v0  }
0x87: {  	v0 =	vld [tilespmem:s4+$0x160];
	_ =	sdelay $0x4  }
0x88: {  	v62 =	vand.u32 $0x3FFF, v0  }
0x89: {  	v0 =	vshrl.u32 v0, $0xE;
	[tilespmem:$0x50E0] =	vst v62  }
0x8a: {  	[tilespmem:$0x5260] =	vst v0  }
0x8b: {  	v0 =	vld [tilespmem:s4+$0x170];
	_ =	sdelay $0x4  }
0x8c: {  	v63 =	vand.u32 $0x3FFF, v0  }
0x8d: {  	v0 =	vshrl.u32 v0, $0xE;
	[tilespmem:$0x50F0] =	vst v63  }
0x8e: {  	[tilespmem:$0x5270] =	vst v0  }
0x8f: {  	[tilespmem:s26], [sflag:$0x2] =	stream.indirect.gather [spmem:s1], $0x40, s24, s19, $0xb8;
	[tilespmem:$0x1F280] =	vst v63  }
0x90: {  	_ =	swait.ge [sflag:s28], $0x3000  }
0x91: {  	p1 =	seq.s32 s2, $0x13800;
	[sflag:s28] =	ssyncset.done $0x0  }
.Ltmp2:
0x92: {  	[sflag:s28] =	ssyncadd.s32 $0xFFFFD000;
	(pc) =	sbr.rel @p1 .LBB2_4-.Ltmp2, $4  }
0x93: {  	[spmem:s3] =	stream.indirect.scatter.add.f32 [tilespmem:s26], [sflag:$0x4], $0x40, s29, s19, $0xb8;
	[tilespmem:$0x1F280] =	vst v63  }
0x94: {  	_ =	swait.ge [sflag:s30], $0x3000  }
0x95: {  	[sflag:s30] =	ssyncset.done $0x0  }
0x96: {  	[sflag:s30] =	ssyncadd.s32 $0xFFFFD000  }
0x97: {  	v0 =	vld [tilespmem:s4+$0x180];
	_ =	sdelay $0x4  }
0x98: {  	v1 =	vand.u32 $0x3FFF, v0  }
0x99: {  	v0 =	vshrl.u32 v0, $0xE;
	[tilespmem:$0x4F80] =	vst v1  }
0x9a: {  	[tilespmem:$0x5100] =	vst v0  }
0x9b: {  	v0 =	vld [tilespmem:s4+$0x190];
	_ =	sdelay $0x4  }
0x9c: {  	v53 =	vand.u32 $0x3FFF, v0  }
0x9d: {  	v0 =	vshrl.u32 v0, $0xE;
	[tilespmem:$0x4F90] =	vst v53  }
0x9e: {  	[tilespmem:$0x5110] =	vst v0  }
0x9f: {  	v0 =	vld [tilespmem:s4+$0x1A0];
	_ =	sdelay $0x4  }
0xa0: {  	v54 =	vand.u32 $0x3FFF, v0  }
0xa1: {  	v0 =	vshrl.u32 v0, $0xE;
	[tilespmem:$0x4FA0] =	vst v54  }
0xa2: {  	[tilespmem:$0x5120] =	vst v0  }
0xa3: {  	v0 =	vld [tilespmem:s4+$0x1B0];
	_ =	sdelay $0x4  }
0xa4: {  	v55 =	vand.u32 $0x3FFF, v0  }
0xa5: {  	v0 =	vshrl.u32 v0, $0xE;
	[tilespmem:$0x4FB0] =	vst v55  }
0xa6: {  	[tilespmem:$0x5130] =	vst v0  }
0xa7: {  	v0 =	vld [tilespmem:s4+$0x1C0];
	_ =	sdelay $0x4  }
0xa8: {  	v56 =	vand.u32 $0x3FFF, v0  }
0xa9: {  	v0 =	vshrl.u32 v0, $0xE;
	[tilespmem:$0x4FC0] =	vst v56  }
0xaa: {  	[tilespmem:$0x5140] =	vst v0  }
0xab: {  	v0 =	vld [tilespmem:s4+$0x1D0];
	_ =	sdelay $0x4  }
0xac: {  	v57 =	vand.u32 $0x3FFF, v0  }
0xad: {  	v0 =	vshrl.u32 v0, $0xE;
	[tilespmem:$0x4FD0] =	vst v57  }
0xae: {  	[tilespmem:$0x5150] =	vst v0  }
0xaf: {  	v0 =	vld [tilespmem:s4+$0x1E0];
	_ =	sdelay $0x4  }
0xb0: {  	v58 =	vand.u32 $0x3FFF, v0  }
0xb1: {  	v0 =	vshrl.u32 v0, $0xE;
	[tilespmem:$0x4FE0] =	vst v58  }
0xb2: {  	[tilespmem:$0x5160] =	vst v0  }
0xb3: {  	v0 =	vld [tilespmem:s4+$0x1F0];
	_ =	sdelay $0x4  }
0xb4: {  	v59 =	vand.u32 $0x3FFF, v0  }
0xb5: {  	v0 =	vshrl.u32 v0, $0xE;
	[tilespmem:$0x4FF0] =	vst v59  }
0xb6: {  	[tilespmem:$0x5170] =	vst v0  }
0xb7: {  	v0 =	vld [tilespmem:s4+$0x200];
	_ =	sdelay $0x4  }
0xb8: {  	v60 =	vand.u32 $0x3FFF, v0  }
0xb9: {  	v0 =	vshrl.u32 v0, $0xE;
	[tilespmem:$0x5000] =	vst v60  }
0xba: {  	[tilespmem:$0x5180] =	vst v0  }
0xbb: {  	v0 =	vld [tilespmem:s4+$0x210];
	_ =	sdelay $0x4  }
0xbc: {  	v61 =	vand.u32 $0x3FFF, v0  }
0xbd: {  	v0 =	vshrl.u32 v0, $0xE;
	[tilespmem:$0x5010] =	vst v61  }
0xbe: {  	[tilespmem:$0x5190] =	vst v0  }
0xbf: {  	v0 =	vld [tilespmem:s4+$0x220];
	_ =	sdelay $0x4  }
0xc0: {  	v62 =	vand.u32 $0x3FFF, v0  }
0xc1: {  	v0 =	vshrl.u32 v0, $0xE;
	[tilespmem:$0x5020] =	vst v62  }
0xc2: {  	[tilespmem:$0x51A0] =	vst v0  }
0xc3: {  	v0 =	vld [tilespmem:s4+$0x230];
	_ =	sdelay $0x3  }
.Ltmp3:
0xc4: {  	_ = 	snop;
	(pc) =	sbr.rel .LBB2_2-.Ltmp3, $4  }
0xc5: {  	v63 =	vand.u32 $0x3FFF, v0  }
0xc6: {  	v0 =	vshrl.u32 v0, $0xE;
	[tilespmem:$0x5030] =	vst v63  }
0xc7: {  	s2 =	sadd.s32 $0x600, s2;
	[tilespmem:$0x51B0] =	vst v0  }
0xc8: {  	[tilespmem:s21], [sflag:$0x1] =	stream.indirect.gather [spmem:s1], $0x40, s20, s19, $0xb8;
	[tilespmem:$0x1F280] =	vst v63  }
.LBB2_4:
0xc9: {  	_ =	swait.ge [sflag:s31], $0x3000  }
0xca: {  	[sflag:s31] =	ssyncset.done $0x0  }
0xcb: {  	[sflag:s31] =	ssyncadd.s32 $0xFFFFD000  }
0xcc: {  	[bflag:$0x0] =	sbarrier.arrive $0xFFFF  }
0xcd: {  	[spmem:s25], [sflag:s17] =	dma.local [hbm:s5], $0x1400  }
0xce: {  	_ =	swait.ge [sflag:s13], $0x1400  }
0xcf: {  	[sflag:s13] =	ssyncset.done $0x0  }
0xd0: {  	[sflag:s13] =	ssyncadd.s32 $0xFFFFEC00  }
0xd1: {  	[bflag:$0x0] =	sbarrier.arrive $0xFFFF  }
0xd2: {  	v0 =	vld [tilespmem:$0x0];
	_ =	sdelay $0x1  }
0xd3: {  	v1 =	vld [tilespmem:$0x10];
	_ =	sdelay $0x1  }
0xd4: {  	v2 =	vld [tilespmem:$0x20]  }
0xd5: {  	v3 =	vand.u32 $0x3FFF, v0  }
0xd6: {  	v33 =	vld [tilespmem:$0x30];
	v0 =	vshrl.u32 v0, $0xE;
	[tilespmem:$0x4F80] =	vst v3  }
0xd7: {  	v34 =	vand.u32 $0x3FFF, v1;
	[tilespmem:$0x5100] =	vst v0  }
0xd8: {  	v36 =	vld [tilespmem:$0x40];
	v35 =	vshrl.u32 v1, $0xE;
	[tilespmem:$0x4F90] =	vst v34  }
0xd9: {  	v37 =	vand.u32 $0x3FFF, v2;
	[tilespmem:$0x5110] =	vst v35  }
0xda: {  	v39 =	vld [tilespmem:$0x50];
	v38 =	vshrl.u32 v2, $0xE;
	[tilespmem:$0x4FA0] =	vst v37  }
0xdb: {  	v40 =	vand.u32 $0x3FFF, v33;
	[tilespmem:$0x5120] =	vst v38  }
0xdc: {  	v42 =	vld [tilespmem:$0x60];
	v41 =	vshrl.u32 v33, $0xE;
	[tilespmem:$0x4FB0] =	vst v40  }
0xdd: {  	v43 =	vand.u32 $0x3FFF, v36;
	[tilespmem:$0x5130] =	vst v41  }
0xde: {  	v45 =	vld [tilespmem:$0x70];
	v44 =	vshrl.u32 v36, $0xE;
	[tilespmem:$0x4FC0] =	vst v43  }
0xdf: {  	v46 =	vand.u32 $0x3FFF, v39;
	[tilespmem:$0x5140] =	vst v44  }
0xe0: {  	v48 =	vld [tilespmem:$0x80];
	v47 =	vshrl.u32 v39, $0xE;
	[tilespmem:$0x4FD0] =	vst v46  }
0xe1: {  	v49 =	vand.u32 $0x3FFF, v42;
	[tilespmem:$0x5150] =	vst v47  }
0xe2: {  	v51 =	vld [tilespmem:$0x90];
	v50 =	vshrl.u32 v42, $0xE;
	[tilespmem:$0x4FE0] =	vst v49  }
0xe3: {  	v52 =	vand.u32 $0x3FFF, v45;
	[tilespmem:$0x5160] =	vst v50  }
0xe4: {  	v54 =	vld [tilespmem:$0xA0];
	v53 =	vshrl.u32 v45, $0xE;
	[tilespmem:$0x4FF0] =	vst v52  }
0xe5: {  	v55 =	vand.u32 $0x3FFF, v48;
	[tilespmem:$0x5170] =	vst v53  }
0xe6: {  	v57 =	vld [tilespmem:$0xB0];
	v56 =	vshrl.u32 v48, $0xE;
	[tilespmem:$0x5000] =	vst v55  }
0xe7: {  	v58 =	vand.u32 $0x3FFF, v51;
	[tilespmem:$0x5180] =	vst v56  }
0xe8: {  	v59 =	vshrl.u32 v51, $0xE;
	[tilespmem:$0x5010] =	vst v58  }
0xe9: {  	v60 =	vand.u32 $0x3FFF, v54;
	[tilespmem:$0x5190] =	vst v59  }
0xea: {  	v61 =	vshrl.u32 v54, $0xE;
	[tilespmem:$0x5020] =	vst v60  }
0xeb: {  	v62 =	vand.u32 $0x3FFF, v57;
	[tilespmem:$0x51A0] =	vst v61  }
0xec: {  	v63 =	vshrl.u32 v57, $0xE;
	[tilespmem:$0x5030] =	vst v62  }
0xed: {  	s2 =	simm.s32 $0x0;
	[tilespmem:$0x51B0] =	vst v63  }
0xee: {  	[tilespmem:s21], [sflag:$0x1] =	stream.indirect.gather [spmem:s3], $0x40, s20, s19, $0xb8;
	[tilespmem:$0x1F280] =	vst v63  }
.LBB2_5:
0xef: {  	_ =	swait.ge [sflag:s22], $0x3000  }
0xf0: {  	p1 =	seq.s32 s2, $0x0;
	[sflag:s22] =	ssyncset.done $0x0  }
0xf1: {  	s4 =	simm.s32 @!p1 $0x4;
	[sflag:s22] =	ssyncadd.s32 $0xFFFFD000  }
0xf2: {  	[spmem:s1] =	stream.indirect.scatter.add.f32 [tilespmem:s21], [sflag:$0x3], $0x40, s23, s19, $0xb8;
	[tilespmem:$0x1F280] =	vst v63  }
0xf3: {  	_ =	swait.ge @!p1 [sflag:s4], $0x3000  }
0xf4: {  	[sflag:s4] =	ssyncset.done @!p1 $0x0  }
0xf5: {  	[sflag:s4] =	ssyncadd.s32 @!p1 $0xFFFFD000;
	s4 =	sshra.s32 s2, $0x2  }
0xf6: {  	v0 =	vld [tilespmem:s4+$0xC0];
	_ =	sdelay $0x4  }
0xf7: {  	v1 =	vand.u32 $0x3FFF, v0  }
0xf8: {  	v0 =	vshrl.u32 v0, $0xE;
	[tilespmem:$0x5040] =	vst v1  }
0xf9: {  	[tilespmem:$0x51C0] =	vst v0  }
0xfa: {  	v0 =	vld [tilespmem:s4+$0xD0];
	_ =	sdelay $0x4  }
0xfb: {  	v53 =	vand.u32 $0x3FFF, v0  }
0xfc: {  	v0 =	vshrl.u32 v0, $0xE;
	[tilespmem:$0x5050] =	vst v53  }
0xfd: {  	[tilespmem:$0x51D0] =	vst v0  }
0xfe: {  	v0 =	vld [tilespmem:s4+$0xE0];
	_ =	sdelay $0x4  }
0xff: {  	v54 =	vand.u32 $0x3FFF, v0  }
0x100: {  	v0 =	vshrl.u32 v0, $0xE;
	[tilespmem:$0x5060] =	vst v54  }
0x101: {  	[tilespmem:$0x51E0] =	vst v0  }
0x102: {  	v0 =	vld [tilespmem:s4+$0xF0];
	_ =	sdelay $0x4  }
0x103: {  	v55 =	vand.u32 $0x3FFF, v0  }
0x104: {  	v0 =	vshrl.u32 v0, $0xE;
	[tilespmem:$0x5070] =	vst v55  }
0x105: {  	[tilespmem:$0x51F0] =	vst v0  }
0x106: {  	v0 =	vld [tilespmem:s4+$0x100];
	_ =	sdelay $0x4  }
0x107: {  	v56 =	vand.u32 $0x3FFF, v0  }
0x108: {  	v0 =	vshrl.u32 v0, $0xE;
	[tilespmem:$0x5080] =	vst v56  }
0x109: {  	[tilespmem:$0x5200] =	vst v0  }
0x10a: {  	v0 =	vld [tilespmem:s4+$0x110];
	_ =	sdelay $0x4  }
0x10b: {  	v57 =	vand.u32 $0x3FFF, v0  }
0x10c: {  	v0 =	vshrl.u32 v0, $0xE;
	[tilespmem:$0x5090] =	vst v57  }
0x10d: {  	[tilespmem:$0x5210] =	vst v0  }
0x10e: {  	v0 =	vld [tilespmem:s4+$0x120];
	_ =	sdelay $0x4  }
0x10f: {  	v58 =	vand.u32 $0x3FFF, v0  }
0x110: {  	v0 =	vshrl.u32 v0, $0xE;
	[tilespmem:$0x50A0] =	vst v58  }
0x111: {  	[tilespmem:$0x5220] =	vst v0  }
0x112: {  	v0 =	vld [tilespmem:s4+$0x130];
	_ =	sdelay $0x4  }
0x113: {  	v59 =	vand.u32 $0x3FFF, v0  }
0x114: {  	v0 =	vshrl.u32 v0, $0xE;
	[tilespmem:$0x50B0] =	vst v59  }
0x115: {  	[tilespmem:$0x5230] =	vst v0  }
0x116: {  	v0 =	vld [tilespmem:s4+$0x140];
	_ =	sdelay $0x4  }
0x117: {  	v60 =	vand.u32 $0x3FFF, v0  }
0x118: {  	v0 =	vshrl.u32 v0, $0xE;
	[tilespmem:$0x50C0] =	vst v60  }
0x119: {  	[tilespmem:$0x5240] =	vst v0  }
0x11a: {  	v0 =	vld [tilespmem:s4+$0x150];
	_ =	sdelay $0x4  }
0x11b: {  	v61 =	vand.u32 $0x3FFF, v0  }
0x11c: {  	v0 =	vshrl.u32 v0, $0xE;
	[tilespmem:$0x50D0] =	vst v61  }
0x11d: {  	[tilespmem:$0x5250] =	vst v0  }
0x11e: {  	v0 =	vld [tilespmem:s4+$0x160];
	_ =	sdelay $0x4  }
0x11f: {  	v62 =	vand.u32 $0x3FFF, v0  }
0x120: {  	v0 =	vshrl.u32 v0, $0xE;
	[tilespmem:$0x50E0] =	vst v62  }
0x121: {  	[tilespmem:$0x5260] =	vst v0  }
0x122: {  	v0 =	vld [tilespmem:s4+$0x170];
	_ =	sdelay $0x4  }
0x123: {  	v63 =	vand.u32 $0x3FFF, v0  }
0x124: {  	v0 =	vshrl.u32 v0, $0xE;
	[tilespmem:$0x50F0] =	vst v63  }
0x125: {  	[tilespmem:$0x5270] =	vst v0  }
0x126: {  	[tilespmem:s26], [sflag:$0x2] =	stream.indirect.gather [spmem:s3], $0x40, s24, s19, $0xb8;
	[tilespmem:$0x1F280] =	vst v63  }
0x127: {  	_ =	swait.ge [sflag:s28], $0x3000  }
0x128: {  	p1 =	seq.s32 s2, $0x13800;
	[sflag:s28] =	ssyncset.done $0x0  }
.Ltmp4:
0x129: {  	[sflag:s28] =	ssyncadd.s32 $0xFFFFD000;
	(pc) =	sbr.rel @p1 .LBB2_7-.Ltmp4, $4  }
0x12a: {  	[spmem:s1] =	stream.indirect.scatter.add.f32 [tilespmem:s26], [sflag:$0x4], $0x40, s29, s19, $0xb8;
	[tilespmem:$0x1F280] =	vst v63  }
0x12b: {  	_ =	swait.ge [sflag:s30], $0x3000  }
0x12c: {  	[sflag:s30] =	ssyncset.done $0x0  }
0x12d: {  	[sflag:s30] =	ssyncadd.s32 $0xFFFFD000  }
0x12e: {  	v0 =	vld [tilespmem:s4+$0x180];
	_ =	sdelay $0x4  }
0x12f: {  	v1 =	vand.u32 $0x3FFF, v0  }
0x130: {  	v0 =	vshrl.u32 v0, $0xE;
	[tilespmem:$0x4F80] =	vst v1  }
0x131: {  	[tilespmem:$0x5100] =	vst v0  }
0x132: {  	v0 =	vld [tilespmem:s4+$0x190];
	_ =	sdelay $0x4  }
0x133: {  	v53 =	vand.u32 $0x3FFF, v0  }
0x134: {  	v0 =	vshrl.u32 v0, $0xE;
	[tilespmem:$0x4F90] =	vst v53  }
0x135: {  	[tilespmem:$0x5110] =	vst v0  }
0x136: {  	v0 =	vld [tilespmem:s4+$0x1A0];
	_ =	sdelay $0x4  }
0x137: {  	v54 =	vand.u32 $0x3FFF, v0  }
0x138: {  	v0 =	vshrl.u32 v0, $0xE;
	[tilespmem:$0x4FA0] =	vst v54  }
0x139: {  	[tilespmem:$0x5120] =	vst v0  }
0x13a: {  	v0 =	vld [tilespmem:s4+$0x1B0];
	_ =	sdelay $0x4  }
0x13b: {  	v55 =	vand.u32 $0x3FFF, v0  }
0x13c: {  	v0 =	vshrl.u32 v0, $0xE;
	[tilespmem:$0x4FB0] =	vst v55  }
0x13d: {  	[tilespmem:$0x5130] =	vst v0  }
0x13e: {  	v0 =	vld [tilespmem:s4+$0x1C0];
	_ =	sdelay $0x4  }
0x13f: {  	v56 =	vand.u32 $0x3FFF, v0  }
0x140: {  	v0 =	vshrl.u32 v0, $0xE;
	[tilespmem:$0x4FC0] =	vst v56  }
0x141: {  	[tilespmem:$0x5140] =	vst v0  }
0x142: {  	v0 =	vld [tilespmem:s4+$0x1D0];
	_ =	sdelay $0x4  }
0x143: {  	v57 =	vand.u32 $0x3FFF, v0  }
0x144: {  	v0 =	vshrl.u32 v0, $0xE;
	[tilespmem:$0x4FD0] =	vst v57  }
0x145: {  	[tilespmem:$0x5150] =	vst v0  }
0x146: {  	v0 =	vld [tilespmem:s4+$0x1E0];
	_ =	sdelay $0x4  }
0x147: {  	v58 =	vand.u32 $0x3FFF, v0  }
0x148: {  	v0 =	vshrl.u32 v0, $0xE;
	[tilespmem:$0x4FE0] =	vst v58  }
0x149: {  	[tilespmem:$0x5160] =	vst v0  }
0x14a: {  	v0 =	vld [tilespmem:s4+$0x1F0];
	_ =	sdelay $0x4  }
0x14b: {  	v59 =	vand.u32 $0x3FFF, v0  }
0x14c: {  	v0 =	vshrl.u32 v0, $0xE;
	[tilespmem:$0x4FF0] =	vst v59  }
0x14d: {  	[tilespmem:$0x5170] =	vst v0  }
0x14e: {  	v0 =	vld [tilespmem:s4+$0x200];
	_ =	sdelay $0x4  }
0x14f: {  	v60 =	vand.u32 $0x3FFF, v0  }
0x150: {  	v0 =	vshrl.u32 v0, $0xE;
	[tilespmem:$0x5000] =	vst v60  }
0x151: {  	[tilespmem:$0x5180] =	vst v0  }
0x152: {  	v0 =	vld [tilespmem:s4+$0x210];
	_ =	sdelay $0x4  }
0x153: {  	v61 =	vand.u32 $0x3FFF, v0  }
0x154: {  	v0 =	vshrl.u32 v0, $0xE;
	[tilespmem:$0x5010] =	vst v61  }
0x155: {  	[tilespmem:$0x5190] =	vst v0  }
0x156: {  	v0 =	vld [tilespmem:s4+$0x220];
	_ =	sdelay $0x4  }
0x157: {  	v62 =	vand.u32 $0x3FFF, v0  }
0x158: {  	v0 =	vshrl.u32 v0, $0xE;
	[tilespmem:$0x5020] =	vst v62  }
0x159: {  	[tilespmem:$0x51A0] =	vst v0  }
0x15a: {  	v0 =	vld [tilespmem:s4+$0x230];
	_ =	sdelay $0x3  }
.Ltmp5:
0x15b: {  	_ = 	snop;
	(pc) =	sbr.rel .LBB2_5-.Ltmp5, $4  }
0x15c: {  	v63 =	vand.u32 $0x3FFF, v0  }
0x15d: {  	v0 =	vshrl.u32 v0, $0xE;
	[tilespmem:$0x5030] =	vst v63  }
0x15e: {  	s2 =	sadd.s32 $0x600, s2;
	[tilespmem:$0x51B0] =	vst v0  }
0x15f: {  	[tilespmem:s21], [sflag:$0x1] =	stream.indirect.gather [spmem:s3], $0x40, s20, s19, $0xb8;
	[tilespmem:$0x1F280] =	vst v63  }
.LBB2_7:
0x160: {  	_ =	swait.ge [sflag:s31], $0x3000  }
0x161: {  	[sflag:s31] =	ssyncset.done $0x0  }
0x162: {  	[sflag:s31] =	ssyncadd.s32 $0xFFFFD000  }
0x163: {  	[bflag:$0x0] =	sbarrier.arrive $0xFFFF  }
0x164: {  	[spmem:s18], [sflag:s17] =	dma.local [hbm:s5], $0x1400  }
0x165: {  	_ =	swait.ge [sflag:s13], $0x1400  }
0x166: {  	[sflag:s13] =	ssyncset.done $0x0  }
0x167: {  	[sflag:s13] =	ssyncadd.s32 $0xFFFFEC00  }
0x168: {  	[bflag:$0x0] =	sbarrier.arrive $0xFFFF  }
0x169: {  	v0 =	vld [tilespmem:$0x0];
	_ =	sdelay $0x1  }
0x16a: {  	v1 =	vld [tilespmem:$0x10];
	_ =	sdelay $0x1  }
0x16b: {  	v2 =	vld [tilespmem:$0x20]  }
0x16c: {  	v3 =	vand.u32 $0x3FFF, v0  }
0x16d: {  	v33 =	vld [tilespmem:$0x30];
	v0 =	vshrl.u32 v0, $0xE;
	[tilespmem:$0x4F80] =	vst v3  }
0x16e: {  	v34 =	vand.u32 $0x3FFF, v1;
	[tilespmem:$0x5100] =	vst v0  }
0x16f: {  	v36 =	vld [tilespmem:$0x40];
	v35 =	vshrl.u32 v1, $0xE;
	[tilespmem:$0x4F90] =	vst v34  }
0x170: {  	v37 =	vand.u32 $0x3FFF, v2;
	[tilespmem:$0x5110] =	vst v35  }
0x171: {  	v39 =	vld [tilespmem:$0x50];
	v38 =	vshrl.u32 v2, $0xE;
	[tilespmem:$0x4FA0] =	vst v37  }
0x172: {  	v40 =	vand.u32 $0x3FFF, v33;
	[tilespmem:$0x5120] =	vst v38  }
0x173: {  	v42 =	vld [tilespmem:$0x60];
	v41 =	vshrl.u32 v33, $0xE;
	[tilespmem:$0x4FB0] =	vst v40  }
0x174: {  	v43 =	vand.u32 $0x3FFF, v36;
	[tilespmem:$0x5130] =	vst v41  }
0x175: {  	v45 =	vld [tilespmem:$0x70];
	v44 =	vshrl.u32 v36, $0xE;
	[tilespmem:$0x4FC0] =	vst v43  }
0x176: {  	v46 =	vand.u32 $0x3FFF, v39;
	[tilespmem:$0x5140] =	vst v44  }
0x177: {  	v48 =	vld [tilespmem:$0x80];
	v47 =	vshrl.u32 v39, $0xE;
	[tilespmem:$0x4FD0] =	vst v46  }
0x178: {  	v49 =	vand.u32 $0x3FFF, v42;
	[tilespmem:$0x5150] =	vst v47  }
0x179: {  	v51 =	vld [tilespmem:$0x90];
	v50 =	vshrl.u32 v42, $0xE;
	[tilespmem:$0x4FE0] =	vst v49  }
0x17a: {  	v52 =	vand.u32 $0x3FFF, v45;
	[tilespmem:$0x5160] =	vst v50  }
0x17b: {  	v54 =	vld [tilespmem:$0xA0];
	v53 =	vshrl.u32 v45, $0xE;
	[tilespmem:$0x4FF0] =	vst v52  }
0x17c: {  	v55 =	vand.u32 $0x3FFF, v48;
	[tilespmem:$0x5170] =	vst v53  }
0x17d: {  	v57 =	vld [tilespmem:$0xB0];
	v56 =	vshrl.u32 v48, $0xE;
	[tilespmem:$0x5000] =	vst v55  }
0x17e: {  	v58 =	vand.u32 $0x3FFF, v51;
	[tilespmem:$0x5180] =	vst v56  }
0x17f: {  	v59 =	vshrl.u32 v51, $0xE;
	[tilespmem:$0x5010] =	vst v58  }
0x180: {  	v60 =	vand.u32 $0x3FFF, v54;
	[tilespmem:$0x5190] =	vst v59  }
0x181: {  	v61 =	vshrl.u32 v54, $0xE;
	[tilespmem:$0x5020] =	vst v60  }
0x182: {  	v62 =	vand.u32 $0x3FFF, v57;
	[tilespmem:$0x51A0] =	vst v61  }
0x183: {  	v63 =	vshrl.u32 v57, $0xE;
	[tilespmem:$0x5030] =	vst v62  }
0x184: {  	s2 =	simm.s32 $0x0;
	[tilespmem:$0x51B0] =	vst v63  }
0x185: {  	[tilespmem:s21], [sflag:$0x1] =	stream.indirect.gather [spmem:s1], $0x40, s20, s19, $0xb8;
	[tilespmem:$0x1F280] =	vst v63  }
.LBB2_8:
0x186: {  	_ =	swait.ge [sflag:s22], $0x3000  }
0x187: {  	p1 =	seq.s32 s2, $0x0;
	[sflag:s22] =	ssyncset.done $0x0  }
0x188: {  	s4 =	simm.s32 @!p1 $0x4;
	[sflag:s22] =	ssyncadd.s32 $0xFFFFD000  }
0x189: {  	[spmem:s3] =	stream.indirect.scatter.add.f32 [tilespmem:s21], [sflag:$0x3], $0x40, s23, s19, $0xb8;
	[tilespmem:$0x1F280] =	vst v63  }
0x18a: {  	_ =	swait.ge @!p1 [sflag:s4], $0x3000  }
0x18b: {  	[sflag:s4] =	ssyncset.done @!p1 $0x0  }
0x18c: {  	[sflag:s4] =	ssyncadd.s32 @!p1 $0xFFFFD000;
	s4 =	sshra.s32 s2, $0x2  }
0x18d: {  	v0 =	vld [tilespmem:s4+$0xC0];
	_ =	sdelay $0x4  }
0x18e: {  	v1 =	vand.u32 $0x3FFF, v0  }
0x18f: {  	v0 =	vshrl.u32 v0, $0xE;
	[tilespmem:$0x5040] =	vst v1  }
0x190: {  	[tilespmem:$0x51C0] =	vst v0  }
0x191: {  	v0 =	vld [tilespmem:s4+$0xD0];
	_ =	sdelay $0x4  }
0x192: {  	v53 =	vand.u32 $0x3FFF, v0  }
0x193: {  	v0 =	vshrl.u32 v0, $0xE;
	[tilespmem:$0x5050] =	vst v53  }
0x194: {  	[tilespmem:$0x51D0] =	vst v0  }
0x195: {  	v0 =	vld [tilespmem:s4+$0xE0];
	_ =	sdelay $0x4  }
0x196: {  	v54 =	vand.u32 $0x3FFF, v0  }
0x197: {  	v0 =	vshrl.u32 v0, $0xE;
	[tilespmem:$0x5060] =	vst v54  }
0x198: {  	[tilespmem:$0x51E0] =	vst v0  }
0x199: {  	v0 =	vld [tilespmem:s4+$0xF0];
	_ =	sdelay $0x4  }
0x19a: {  	v55 =	vand.u32 $0x3FFF, v0  }
0x19b: {  	v0 =	vshrl.u32 v0, $0xE;
	[tilespmem:$0x5070] =	vst v55  }
0x19c: {  	[tilespmem:$0x51F0] =	vst v0  }
0x19d: {  	v0 =	vld [tilespmem:s4+$0x100];
	_ =	sdelay $0x4  }
0x19e: {  	v56 =	vand.u32 $0x3FFF, v0  }
0x19f: {  	v0 =	vshrl.u32 v0, $0xE;
	[tilespmem:$0x5080] =	vst v56  }
0x1a0: {  	[tilespmem:$0x5200] =	vst v0  }
0x1a1: {  	v0 =	vld [tilespmem:s4+$0x110];
	_ =	sdelay $0x4  }
0x1a2: {  	v57 =	vand.u32 $0x3FFF, v0  }
0x1a3: {  	v0 =	vshrl.u32 v0, $0xE;
	[tilespmem:$0x5090] =	vst v57  }
0x1a4: {  	[tilespmem:$0x5210] =	vst v0  }
0x1a5: {  	v0 =	vld [tilespmem:s4+$0x120];
	_ =	sdelay $0x4  }
0x1a6: {  	v58 =	vand.u32 $0x3FFF, v0  }
0x1a7: {  	v0 =	vshrl.u32 v0, $0xE;
	[tilespmem:$0x50A0] =	vst v58  }
0x1a8: {  	[tilespmem:$0x5220] =	vst v0  }
0x1a9: {  	v0 =	vld [tilespmem:s4+$0x130];
	_ =	sdelay $0x4  }
0x1aa: {  	v59 =	vand.u32 $0x3FFF, v0  }
0x1ab: {  	v0 =	vshrl.u32 v0, $0xE;
	[tilespmem:$0x50B0] =	vst v59  }
0x1ac: {  	[tilespmem:$0x5230] =	vst v0  }
0x1ad: {  	v0 =	vld [tilespmem:s4+$0x140];
	_ =	sdelay $0x4  }
0x1ae: {  	v60 =	vand.u32 $0x3FFF, v0  }
0x1af: {  	v0 =	vshrl.u32 v0, $0xE;
	[tilespmem:$0x50C0] =	vst v60  }
0x1b0: {  	[tilespmem:$0x5240] =	vst v0  }
0x1b1: {  	v0 =	vld [tilespmem:s4+$0x150];
	_ =	sdelay $0x4  }
0x1b2: {  	v61 =	vand.u32 $0x3FFF, v0  }
0x1b3: {  	v0 =	vshrl.u32 v0, $0xE;
	[tilespmem:$0x50D0] =	vst v61  }
0x1b4: {  	[tilespmem:$0x5250] =	vst v0  }
0x1b5: {  	v0 =	vld [tilespmem:s4+$0x160];
	_ =	sdelay $0x4  }
0x1b6: {  	v62 =	vand.u32 $0x3FFF, v0  }
0x1b7: {  	v0 =	vshrl.u32 v0, $0xE;
	[tilespmem:$0x50E0] =	vst v62  }
0x1b8: {  	[tilespmem:$0x5260] =	vst v0  }
0x1b9: {  	v0 =	vld [tilespmem:s4+$0x170];
	_ =	sdelay $0x4  }
0x1ba: {  	v63 =	vand.u32 $0x3FFF, v0  }
0x1bb: {  	v0 =	vshrl.u32 v0, $0xE;
	[tilespmem:$0x50F0] =	vst v63  }
0x1bc: {  	[tilespmem:$0x5270] =	vst v0  }
0x1bd: {  	[tilespmem:s26], [sflag:$0x2] =	stream.indirect.gather [spmem:s1], $0x40, s24, s19, $0xb8;
	[tilespmem:$0x1F280] =	vst v63  }
0x1be: {  	_ =	swait.ge [sflag:s28], $0x3000  }
0x1bf: {  	p1 =	seq.s32 s2, $0x13800;
	[sflag:s28] =	ssyncset.done $0x0  }
.Ltmp6:
0x1c0: {  	[sflag:s28] =	ssyncadd.s32 $0xFFFFD000;
	(pc) =	sbr.rel @p1 .LBB2_10-.Ltmp6, $4  }
0x1c1: {  	[spmem:s3] =	stream.indirect.scatter.add.f32 [tilespmem:s26], [sflag:$0x4], $0x40, s29, s19, $0xb8;
	[tilespmem:$0x1F280] =	vst v63  }
0x1c2: {  	_ =	swait.ge [sflag:s30], $0x3000  }
0x1c3: {  	[sflag:s30] =	ssyncset.done $0x0  }
0x1c4: {  	[sflag:s30] =	ssyncadd.s32 $0xFFFFD000  }
0x1c5: {  	v0 =	vld [tilespmem:s4+$0x180];
	_ =	sdelay $0x4  }
0x1c6: {  	v1 =	vand.u32 $0x3FFF, v0  }
0x1c7: {  	v0 =	vshrl.u32 v0, $0xE;
	[tilespmem:$0x4F80] =	vst v1  }
0x1c8: {  	[tilespmem:$0x5100] =	vst v0  }
0x1c9: {  	v0 =	vld [tilespmem:s4+$0x190];
	_ =	sdelay $0x4  }
0x1ca: {  	v53 =	vand.u32 $0x3FFF, v0  }
0x1cb: {  	v0 =	vshrl.u32 v0, $0xE;
	[tilespmem:$0x4F90] =	vst v53  }
0x1cc: {  	[tilespmem:$0x5110] =	vst v0  }
0x1cd: {  	v0 =	vld [tilespmem:s4+$0x1A0];
	_ =	sdelay $0x4  }
0x1ce: {  	v54 =	vand.u32 $0x3FFF, v0  }
0x1cf: {  	v0 =	vshrl.u32 v0, $0xE;
	[tilespmem:$0x4FA0] =	vst v54  }
0x1d0: {  	[tilespmem:$0x5120] =	vst v0  }
0x1d1: {  	v0 =	vld [tilespmem:s4+$0x1B0];
	_ =	sdelay $0x4  }
0x1d2: {  	v55 =	vand.u32 $0x3FFF, v0  }
0x1d3: {  	v0 =	vshrl.u32 v0, $0xE;
	[tilespmem:$0x4FB0] =	vst v55  }
0x1d4: {  	[tilespmem:$0x5130] =	vst v0  }
0x1d5: {  	v0 =	vld [tilespmem:s4+$0x1C0];
	_ =	sdelay $0x4  }
0x1d6: {  	v56 =	vand.u32 $0x3FFF, v0  }
0x1d7: {  	v0 =	vshrl.u32 v0, $0xE;
	[tilespmem:$0x4FC0] =	vst v56  }
0x1d8: {  	[tilespmem:$0x5140] =	vst v0  }
0x1d9: {  	v0 =	vld [tilespmem:s4+$0x1D0];
	_ =	sdelay $0x4  }
0x1da: {  	v57 =	vand.u32 $0x3FFF, v0  }
0x1db: {  	v0 =	vshrl.u32 v0, $0xE;
	[tilespmem:$0x4FD0] =	vst v57  }
0x1dc: {  	[tilespmem:$0x5150] =	vst v0  }
0x1dd: {  	v0 =	vld [tilespmem:s4+$0x1E0];
	_ =	sdelay $0x4  }
0x1de: {  	v58 =	vand.u32 $0x3FFF, v0  }
0x1df: {  	v0 =	vshrl.u32 v0, $0xE;
	[tilespmem:$0x4FE0] =	vst v58  }
0x1e0: {  	[tilespmem:$0x5160] =	vst v0  }
0x1e1: {  	v0 =	vld [tilespmem:s4+$0x1F0];
	_ =	sdelay $0x4  }
0x1e2: {  	v59 =	vand.u32 $0x3FFF, v0  }
0x1e3: {  	v0 =	vshrl.u32 v0, $0xE;
	[tilespmem:$0x4FF0] =	vst v59  }
0x1e4: {  	[tilespmem:$0x5170] =	vst v0  }
0x1e5: {  	v0 =	vld [tilespmem:s4+$0x200];
	_ =	sdelay $0x4  }
0x1e6: {  	v60 =	vand.u32 $0x3FFF, v0  }
0x1e7: {  	v0 =	vshrl.u32 v0, $0xE;
	[tilespmem:$0x5000] =	vst v60  }
0x1e8: {  	[tilespmem:$0x5180] =	vst v0  }
0x1e9: {  	v0 =	vld [tilespmem:s4+$0x210];
	_ =	sdelay $0x4  }
0x1ea: {  	v61 =	vand.u32 $0x3FFF, v0  }
0x1eb: {  	v0 =	vshrl.u32 v0, $0xE;
	[tilespmem:$0x5010] =	vst v61  }
0x1ec: {  	[tilespmem:$0x5190] =	vst v0  }
0x1ed: {  	v0 =	vld [tilespmem:s4+$0x220];
	_ =	sdelay $0x4  }
0x1ee: {  	v62 =	vand.u32 $0x3FFF, v0  }
0x1ef: {  	v0 =	vshrl.u32 v0, $0xE;
	[tilespmem:$0x5020] =	vst v62  }
0x1f0: {  	[tilespmem:$0x51A0] =	vst v0  }
0x1f1: {  	v0 =	vld [tilespmem:s4+$0x230];
	_ =	sdelay $0x3  }
.Ltmp7:
0x1f2: {  	_ = 	snop;
	(pc) =	sbr.rel .LBB2_8-.Ltmp7, $4  }
0x1f3: {  	v63 =	vand.u32 $0x3FFF, v0  }
0x1f4: {  	v0 =	vshrl.u32 v0, $0xE;
	[tilespmem:$0x5030] =	vst v63  }
0x1f5: {  	s2 =	sadd.s32 $0x600, s2;
	[tilespmem:$0x51B0] =	vst v0  }
0x1f6: {  	[tilespmem:s21], [sflag:$0x1] =	stream.indirect.gather [spmem:s1], $0x40, s20, s19, $0xb8;
	[tilespmem:$0x1F280] =	vst v63  }
.LBB2_11:
0x1f7: {  	_ =	sfence.sel $0x180000  }
0x1f8: {  	[bflag:$0x0] =	sbarrier.arrive $0xFFFF  }
0x1f9: {  	_ =	strace $0x90000047  }
0x1fa: {  	s0 =	stileid.u32;
	[bflag:$0x2] =	sbarrier.arrive $0xFFFF  }
0x1fb: {  	p0 =	sne.s32 s0, $0x0;
	s0 =	rddreg [dreg:$0x4]  }
0x1fc: {  	s0 =	sadd.s32 @!p0 $0x100000, s0  }
0x1fd: {  	[sflag:s0] =	ssyncadd.tile.s32 @!p0 $0x1;
	_ =	shalt  }
.Lfunc_end2:
_tile_overlayer_lowered:
.L_overlay_start_2:
0x1fe: {  	(tag) =	ssettag $0x2  }
0x1ff: {  	s0 =	rddreg [dreg:$0x0];
	s2 =	stileid.u32  }
0x200: {  	s1 =	rddreg [dreg:$0x1];
	p0 =	sne.s32 s2, $0x0  }
0x201: {  	s3 =	rddreg [dreg:$0x2];
	[bflag:$0x3] =	sbarrier.arrive $0xFFFF;
	s2 =	simm.s32 @!p0 $0x1C05  }
0x202: {  	[timem:s3], [sflag:s2] =	dma.local @!p0 [hbm:s0], s1  }
0x203: {  	s0 =	simm.s32 @!p0 $0x5  }
0x204: {  	_ =	swait.ge @!p0 [sflag:s0], s1  }
0x205: {  	s1 =	ssub.s32 @!p0 $0x0, s1;
	[sflag:s0] =	ssyncset.done @!p0 $0x0  }
0x206: {  	[sflag:s0] =	ssyncadd.s32 @!p0 s1  }
0x207: {  	[bflag:$0x3] =	sbarrier.arrive $0xFFFF  }
0x208: {  	_ =	shalt  }

</sc_bundles>
